<compile_context>
chip_gen: v7x
topology: tpu7x:2x2x1
jax: 0.10.2.dev20260603
libtpu: 0.0.44.dev20260713+nightly
codegen_flags: <defaults>
</compile_context>

<pallas_src>
import functools

import jax
import jax.numpy as jnp
from jax import lax
from jax.experimental import pallas as pl
from jax.experimental.pallas import tpu as pltpu
from jax.experimental.pallas import tpu_sc as plsc

N = 65536
K = 256
M = 64
L = 16
NC = 2
NS = 16
NW = NC * NS
RPW = N // NW
RB = 128
NBLK = RPW // RB
CPR = K // L


def _sc_body(x_hbm, wt_hbm, b_hbm, o_hbm, xbuf, obuf, wtbuf, bbuf):
    wid = lax.axis_index("s") * NC + lax.axis_index("c")
    pltpu.sync_copy(wt_hbm, wtbuf)
    pltpu.sync_copy(b_hbm, bbuf)
    lanes = lax.iota(jnp.int32, L)
    bvecs = [bbuf[pl.ds(j * L, L)] for j in range(M // L)]

    def do_block(b, _):
        rowbase = wid * RPW + b * RB
        pltpu.sync_copy(x_hbm.at[pl.ds(rowbase, RB), :], xbuf)

        def initrow(r, _):
            for j in range(M // L):
                obuf[r, pl.ds(j * L, L)] = bvecs[j]
            return 0

        lax.fori_loop(0, RB, initrow, 0, unroll=4)

        def do_chunk(i, _):
            r = i // CPR
            cbase = (i % CPR) * L
            v = xbuf[r, pl.ds(cbase, L)]
            mi = jnp.where(v != 0.0, 1, 0)
            t = mi | mi[(lanes + 1) & (L - 1)]
            t = t | t[(lanes + 2) & (L - 1)]
            t = t | t[(lanes + 4) & (L - 1)]
            t = t | t[(lanes + 8) & (L - 1)]
            flag = t[0]

            @pl.when(flag != 0)
            def _():
                for l in range(L):
                    val = v[l]

                    @pl.when(val != 0.0)
                    def _():
                        c = cbase + l
                        for j in range(M // L):
                            sl = pl.ds(j * L, L)
                            obuf[r, sl] = obuf[r, sl] + val * wtbuf[c, sl]

            return 0

        lax.fori_loop(0, RB * CPR, do_chunk, 0)
        pltpu.sync_copy(obuf, o_hbm.at[pl.ds(rowbase, RB), :])
        return 0

    lax.fori_loop(0, NBLK, do_block, 0)


@jax.jit
def _sc_linear(x, wt, bias):
    mesh = plsc.VectorSubcoreMesh(core_axis_name="c", subcore_axis_name="s")
    f = functools.partial(
        pl.kernel,
        mesh=mesh,
        out_type=jax.ShapeDtypeStruct((N, M), jnp.float32),
        scratch_types=[
            pltpu.VMEM((RB, K), jnp.float32),
            pltpu.VMEM((RB, M), jnp.float32),
            pltpu.VMEM((K, M), jnp.float32),
            pltpu.VMEM((M,), jnp.float32),
        ],
    )(_sc_body)
    return f(x, wt, bias)


def kernel(input, weight, bias):
    return _sc_linear(input, weight.T, bias)

# --- scband reference (transcript-rebuilt; emitter-appended) ---
"""Pipeline reference for scband-sparse-linear-44195213476119 (READ-ONLY COPY).

The authoritative reference and input builder live on the scoring server;
editing this copy changes nothing except your own understanding.
"""

import jax, jax.numpy as jnp
import numpy as np
import math

N = 65536
IN_FEATURES = 256
OUT_FEATURES = 64
DENSITY = 0.01

def setup_inputs(seed: int = 0) -> dict:
    key = jax.random.key(seed)
    k1, k2, k3, k4 = jax.random.split(key, 4)
    # sparse input matrix [N, in_features]: mostly zeros (density ~1%) to mirror torch.sparse usage
    dense_vals = jax.random.normal(k1, (N, IN_FEATURES), dtype=jnp.float32)
    mask = jax.random.uniform(k4, (N, IN_FEATURES)) < DENSITY
    inp = jnp.where(mask, dense_vals, 0.0)
    # weight [out_features, in_features] with kaiming_uniform(a=sqrt(5)) -> U(-bound, bound), bound = sqrt(6/((1+5)*fan_in)) = 1/sqrt(fan_in)
    fan_in = IN_FEATURES
    gain = math.sqrt(2.0 / (1.0 + 5.0))
    bound_w = gain * math.sqrt(3.0 / fan_in)
    weight = jax.random.uniform(k2, (OUT_FEATURES, IN_FEATURES), dtype=jnp.float32, minval=-bound_w, maxval=bound_w)
    bound_b = 1.0 / math.sqrt(fan_in)
    bias = jax.random.uniform(k3, (OUT_FEATURES,), dtype=jnp.float32, minval=-bound_b, maxval=bound_b)
    return {"input": inp, "weight": weight, "bias": bias}

def reference(input, weight, bias):
    # torch.sparse.addmm(bias, input_sparse, weight.t()) == bias + input @ weight.T
    # (the sparse layout only affects storage, not the math)
    return jnp.dot(input, weight.T) + bias

if __name__ == "__main__":
    import jax
    _d = setup_inputs()
    print(jax.jit(kernel)(*tuple(_d.values())))

</pallas_src>

<mosaic_0001>
#map = affine_map<(d0, d1) -> (0, 0)>
#map1 = affine_map<(d0, d1) -> (0)>
module attributes {stable_mosaic.version = 14 : i64} {
  func.func @_sc_body(%arg0: i32, %arg1: i32, %arg2: memref<65536x256xf32, #tpu.memory_space<hbm>>, %arg3: memref<256x64xf32, #tpu.memory_space<hbm>>, %arg4: memref<64xf32, #tpu.memory_space<hbm>>, %arg5: memref<65536x64xf32, #tpu.memory_space<hbm>>, %arg6: memref<128x256xf32, #tpu.memory_space<vmem>>, %arg7: memref<128x64xf32, #tpu.memory_space<vmem>>, %arg8: memref<256x64xf32, #tpu.memory_space<vmem>>, %arg9: memref<64xf32, #tpu.memory_space<vmem>>) attributes {dimension_semantics = [#tpu.dimension_semantics<core_parallel>, #tpu.dimension_semantics<subcore_parallel>], iteration_bounds = array<i64: 2, 16>, scalar_prefetch = 0 : i64, scratch_operands = 4 : i64, tpu.core_type = #tpu.core_type<sc_vector_subcore>, window_params = [{transform_indices = #map}, {transform_indices = #map}, {transform_indices = #map1}, {transform_indices = #map}]} {
    %mul3A = arith.constant 2 : i32
    %mul3A_0 = arith.muli %arg1, %mul3A : i32
    %add3A = arith.addi %mul3A_0, %arg0 : i32
    "tpu.region"() ({
      %run_scoped3A = tpu.sem_alloc : memref<!tpu.dma_semaphore, #tpu.memory_space<semaphore_mem>>
      tpu.enqueue_dma source(%arg3 : memref<256x64xf32, #tpu.memory_space<hbm>>) target(%arg8 : memref<256x64xf32, #tpu.memory_space<vmem>>) target_semaphore(%run_scoped3A : memref<!tpu.dma_semaphore, #tpu.memory_space<semaphore_mem>>)
      tpu.wait_dma2 semaphore(%run_scoped3A : memref<!tpu.dma_semaphore, #tpu.memory_space<semaphore_mem>>) src(%arg3 : memref<256x64xf32, #tpu.memory_space<hbm>>) dst(%arg8 : memref<256x64xf32, #tpu.memory_space<vmem>>)
      tpu.yield
    }) : () -> ()
    "tpu.region"() ({
      %run_scoped3A = tpu.sem_alloc : memref<!tpu.dma_semaphore, #tpu.memory_space<semaphore_mem>>
      tpu.enqueue_dma source(%arg4 : memref<64xf32, #tpu.memory_space<hbm>>) target(%arg9 : memref<64xf32, #tpu.memory_space<vmem>>) target_semaphore(%run_scoped3A : memref<!tpu.dma_semaphore, #tpu.memory_space<semaphore_mem>>)
      tpu.wait_dma2 semaphore(%run_scoped3A : memref<!tpu.dma_semaphore, #tpu.memory_space<semaphore_mem>>) src(%arg4 : memref<64xf32, #tpu.memory_space<hbm>>) dst(%arg9 : memref<64xf32, #tpu.memory_space<vmem>>)
      tpu.yield
    }) : () -> ()
    %iota3A = tpu.iota {dimensions = array<i32: 0>} : vector<16xi32>
    %get3A = arith.constant 0 : index
    %get3A_1 = tpu.vector_load %arg9[%get3A] {strides = array<i32>} : memref<64xf32, #tpu.memory_space<vmem>>, vector<16xf32>,
    %get3A_2 = vector.shape_cast %get3A_1 : vector<16xf32> to vector<16xf32>
    %get3A_3 = arith.constant 16 : index
    %get3A_4 = tpu.vector_load %arg9[%get3A_3] {strides = array<i32>} : memref<64xf32, #tpu.memory_space<vmem>>, vector<16xf32>,
    %get3A_5 = vector.shape_cast %get3A_4 : vector<16xf32> to vector<16xf32>
    %get3A_6 = arith.constant 32 : index
    %get3A_7 = tpu.vector_load %arg9[%get3A_6] {strides = array<i32>} : memref<64xf32, #tpu.memory_space<vmem>>, vector<16xf32>,
    %get3A_8 = vector.shape_cast %get3A_7 : vector<16xf32> to vector<16xf32>
    %get3A_9 = arith.constant 48 : index
    %get3A_10 = tpu.vector_load %arg9[%get3A_9] {strides = array<i32>} : memref<64xf32, #tpu.memory_space<vmem>>, vector<16xf32>,
    %get3A_11 = vector.shape_cast %get3A_10 : vector<16xf32> to vector<16xf32>
    %scan3A = arith.constant 0 : i32
    %scan3A_12 = arith.constant 0 : i32
    %scan3A_13 = arith.constant 16 : i32
    %scan3A_14 = arith.addi %scan3A_12, %scan3A_13 : i32
    %scan3A_15 = arith.constant 1 : i32
    %scan3A_16 = scf.for %scan3A_18 = %scan3A_12 to %scan3A_14 step %scan3A_15 iter_args(%scan3A_19 = %scan3A) -> (i32)  : i32 {
      %mul3A_20 = arith.constant 2048 : i32
      %mul3A_21 = arith.muli %add3A, %mul3A_20 : i32
      %mul3A_22 = arith.constant 128 : i32
      %mul3A_23 = arith.muli %scan3A_18, %mul3A_22 : i32
      %add3A_24 = arith.addi %mul3A_21, %mul3A_23 : i32
      "tpu.region"() ({
        %run_scoped3A = tpu.sem_alloc : memref<!tpu.dma_semaphore, #tpu.memory_space<semaphore_mem>>
        %dma_start3A = arith.constant 0 : i32
        %dma_start3A_40 = tpu.memref_slice %arg2[%add3A_24, %dma_start3A] : memref<65536x256xf32, #tpu.memory_space<hbm>> -> memref<128x256xf32, #tpu.memory_space<hbm>>
        %dma_start3A_41 = arith.constant 0 : i32
        %dma_start3A_42 = tpu.memref_slice %arg2[%add3A_24, %dma_start3A_41] : memref<65536x256xf32, #tpu.memory_space<hbm>> -> memref<128x256xf32, #tpu.memory_space<hbm>>
        tpu.enqueue_dma source(%dma_start3A_42 : memref<128x256xf32, #tpu.memory_space<hbm>>) target(%arg6 : memref<128x256xf32, #tpu.memory_space<vmem>>) target_semaphore(%run_scoped3A : memref<!tpu.dma_semaphore, #tpu.memory_space<semaphore_mem>>)
        %dma_wait3A = arith.constant 0 : i32
        %dma_wait3A_43 = tpu.memref_slice %arg2[%add3A_24, %dma_wait3A] : memref<65536x256xf32, #tpu.memory_space<hbm>> -> memref<128x256xf32, #tpu.memory_space<hbm>>
        %dma_wait3A_44 = arith.constant 0 : i32
        %dma_wait3A_45 = tpu.memref_slice %arg2[%add3A_24, %dma_wait3A_44] : memref<65536x256xf32, #tpu.memory_space<hbm>> -> memref<128x256xf32, #tpu.memory_space<hbm>>
        tpu.wait_dma2 semaphore(%run_scoped3A : memref<!tpu.dma_semaphore, #tpu.memory_space<semaphore_mem>>) src(%dma_wait3A_45 : memref<128x256xf32, #tpu.memory_space<hbm>>) dst(%arg6 : memref<128x256xf32, #tpu.memory_space<vmem>>)
        tpu.yield
      }) : () -> ()
      %scan3A_25 = arith.constant 0 : i32
      %scan3A_26 = arith.constant 0 : i32
      %scan3A_27 = arith.constant 128 : i32
      %scan3A_28 = arith.addi %scan3A_26, %scan3A_27 : i32
      %scan3A_29 = arith.constant 4 : i32
      %scan3A_30 = scf.for %scan3A_40 = %scan3A_26 to %scan3A_28 step %scan3A_29 iter_args(%scan3A_41 = %scan3A_25) -> (i32)  : i32 {
        %swap3A = arith.index_cast %scan3A_40 : i32 to index
        %swap3A_42 = arith.constant 0 : index
        %swap3A_43 = tpu.vector_load %arg7[%swap3A, %swap3A_42] {strides = array<i32>} : memref<128x64xf32, #tpu.memory_space<vmem>>, vector<1x16xf32>,
        %swap3A_44 = vector.shape_cast %swap3A_43 : vector<1x16xf32> to vector<16xf32>
        %swap3A_45 = vector.shape_cast %get3A_2 : vector<16xf32> to vector<1x16xf32>
        tpu.vector_store %arg7[%swap3A, %swap3A_42], %swap3A_45 {strides = array<i32>} : memref<128x64xf32, #tpu.memory_space<vmem>>, vector<1x16xf32>,
        %swap3A_46 = arith.index_cast %scan3A_40 : i32 to index
        %swap3A_47 = arith.constant 16 : index
        %swap3A_48 = tpu.vector_load %arg7[%swap3A_46, %swap3A_47] {strides = array<i32>} : memref<128x64xf32, #tpu.memory_space<vmem>>, vector<1x16xf32>,
        %swap3A_49 = vector.shape_cast %swap3A_48 : vector<1x16xf32> to vector<16xf32>
        %swap3A_50 = vector.shape_cast %get3A_5 : vector<16xf32> to vector<1x16xf32>
        tpu.vector_store %arg7[%swap3A_46, %swap3A_47], %swap3A_50 {strides = array<i32>} : memref<128x64xf32, #tpu.memory_space<vmem>>, vector<1x16xf32>,
        %swap3A_51 = arith.index_cast %scan3A_40 : i32 to index
        %swap3A_52 = arith.constant 32 : index
        %swap3A_53 = tpu.vector_load %arg7[%swap3A_51, %swap3A_52] {strides = array<i32>} : memref<128x64xf32, #tpu.memory_space<vmem>>, vector<1x16xf32>,
        %swap3A_54 = vector.shape_cast %swap3A_53 : vector<1x16xf32> to vector<16xf32>
        %swap3A_55 = vector.shape_cast %get3A_8 : vector<16xf32> to vector<1x16xf32>
        tpu.vector_store %arg7[%swap3A_51, %swap3A_52], %swap3A_55 {strides = array<i32>} : memref<128x64xf32, #tpu.memory_space<vmem>>, vector<1x16xf32>,
        %swap3A_56 = arith.index_cast %scan3A_40 : i32 to index
        %swap3A_57 = arith.constant 48 : index
        %swap3A_58 = tpu.vector_load %arg7[%swap3A_56, %swap3A_57] {strides = array<i32>} : memref<128x64xf32, #tpu.memory_space<vmem>>, vector<1x16xf32>,
        %swap3A_59 = vector.shape_cast %swap3A_58 : vector<1x16xf32> to vector<16xf32>
        %swap3A_60 = vector.shape_cast %get3A_11 : vector<16xf32> to vector<1x16xf32>
        tpu.vector_store %arg7[%swap3A_56, %swap3A_57], %swap3A_60 {strides = array<i32>} : memref<128x64xf32, #tpu.memory_space<vmem>>, vector<1x16xf32>,
        %scan3A_61 = arith.constant 0 : i32
        %scan3A_62 = arith.constant 1 : i32
        %scan3A_63 = arith.addi %scan3A_40, %scan3A_62 : i32
        %swap3A_64 = arith.index_cast %scan3A_63 : i32 to index
        %swap3A_65 = arith.constant 0 : index
        %swap3A_66 = tpu.vector_load %arg7[%swap3A_64, %swap3A_65] {strides = array<i32>} : memref<128x64xf32, #tpu.memory_space<vmem>>, vector<1x16xf32>,
        %swap3A_67 = vector.shape_cast %swap3A_66 : vector<1x16xf32> to vector<16xf32>
        %swap3A_68 = vector.shape_cast %get3A_2 : vector<16xf32> to vector<1x16xf32>
        tpu.vector_store %arg7[%swap3A_64, %swap3A_65], %swap3A_68 {strides = array<i32>} : memref<128x64xf32, #tpu.memory_space<vmem>>, vector<1x16xf32>,
        %swap3A_69 = arith.index_cast %scan3A_63 : i32 to index
        %swap3A_70 = arith.constant 16 : index
        %swap3A_71 = tpu.vector_load %arg7[%swap3A_69, %swap3A_70] {strides = array<i32>} : memref<128x64xf32, #tpu.memory_space<vmem>>, vector<1x16xf32>,
        %swap3A_72 = vector.shape_cast %swap3A_71 : vector<1x16xf32> to vector<16xf32>
        %swap3A_73 = vector.shape_cast %get3A_5 : vector<16xf32> to vector<1x16xf32>
        tpu.vector_store %arg7[%swap3A_69, %swap3A_70], %swap3A_73 {strides = array<i32>} : memref<128x64xf32, #tpu.memory_space<vmem>>, vector<1x16xf32>,
        %swap3A_74 = arith.index_cast %scan3A_63 : i32 to index
        %swap3A_75 = arith.constant 32 : index
        %swap3A_76 = tpu.vector_load %arg7[%swap3A_74, %swap3A_75] {strides = array<i32>} : memref<128x64xf32, #tpu.memory_space<vmem>>, vector<1x16xf32>,
        %swap3A_77 = vector.shape_cast %swap3A_76 : vector<1x16xf32> to vector<16xf32>
        %swap3A_78 = vector.shape_cast %get3A_8 : vector<16xf32> to vector<1x16xf32>
        tpu.vector_store %arg7[%swap3A_74, %swap3A_75], %swap3A_78 {strides = array<i32>} : memref<128x64xf32, #tpu.memory_space<vmem>>, vector<1x16xf32>,
        %swap3A_79 = arith.index_cast %scan3A_63 : i32 to index
        %swap3A_80 = arith.constant 48 : index
        %swap3A_81 = tpu.vector_load %arg7[%swap3A_79, %swap3A_80] {strides = array<i32>} : memref<128x64xf32, #tpu.memory_space<vmem>>, vector<1x16xf32>,
        %swap3A_82 = vector.shape_cast %swap3A_81 : vector<1x16xf32> to vector<16xf32>
        %swap3A_83 = vector.shape_cast %get3A_11 : vector<16xf32> to vector<1x16xf32>
        tpu.vector_store %arg7[%swap3A_79, %swap3A_80], %swap3A_83 {strides = array<i32>} : memref<128x64xf32, #tpu.memory_space<vmem>>, vector<1x16xf32>,
        %scan3A_84 = arith.constant 0 : i32
        %scan3A_85 = arith.constant 2 : i32
        %scan3A_86 = arith.addi %scan3A_40, %scan3A_85 : i32
        %swap3A_87 = arith.index_cast %scan3A_86 : i32 to index
        %swap3A_88 = arith.constant 0 : index
        %swap3A_89 = tpu.vector_load %arg7[%swap3A_87, %swap3A_88] {strides = array<i32>} : memref<128x64xf32, #tpu.memory_space<vmem>>, vector<1x16xf32>,
        %swap3A_90 = vector.shape_cast %swap3A_89 : vector<1x16xf32> to vector<16xf32>
        %swap3A_91 = vector.shape_cast %get3A_2 : vector<16xf32> to vector<1x16xf32>
        tpu.vector_store %arg7[%swap3A_87, %swap3A_88], %swap3A_91 {strides = array<i32>} : memref<128x64xf32, #tpu.memory_space<vmem>>, vector<1x16xf32>,
        %swap3A_92 = arith.index_cast %scan3A_86 : i32 to index
        %swap3A_93 = arith.constant 16 : index
        %swap3A_94 = tpu.vector_load %arg7[%swap3A_92, %swap3A_93] {strides = array<i32>} : memref<128x64xf32, #tpu.memory_space<vmem>>, vector<1x16xf32>,
        %swap3A_95 = vector.shape_cast %swap3A_94 : vector<1x16xf32> to vector<16xf32>
        %swap3A_96 = vector.shape_cast %get3A_5 : vector<16xf32> to vector<1x16xf32>
        tpu.vector_store %arg7[%swap3A_92, %swap3A_93], %swap3A_96 {strides = array<i32>} : memref<128x64xf32, #tpu.memory_space<vmem>>, vector<1x16xf32>,
        %swap3A_97 = arith.index_cast %scan3A_86 : i32 to index
        %swap3A_98 = arith.constant 32 : index
        %swap3A_99 = tpu.vector_load %arg7[%swap3A_97, %swap3A_98] {strides = array<i32>} : memref<128x64xf32, #tpu.memory_space<vmem>>, vector<1x16xf32>,
        %swap3A_100 = vector.shape_cast %swap3A_99 : vector<1x16xf32> to vector<16xf32>
        %swap3A_101 = vector.shape_cast %get3A_8 : vector<16xf32> to vector<1x16xf32>
        tpu.vector_store %arg7[%swap3A_97, %swap3A_98], %swap3A_101 {strides = array<i32>} : memref<128x64xf32, #tpu.memory_space<vmem>>, vector<1x16xf32>,
        %swap3A_102 = arith.index_cast %scan3A_86 : i32 to index
        %swap3A_103 = arith.constant 48 : index
        %swap3A_104 = tpu.vector_load %arg7[%swap3A_102, %swap3A_103] {strides = array<i32>} : memref<128x64xf32, #tpu.memory_space<vmem>>, vector<1x16xf32>,
        %swap3A_105 = vector.shape_cast %swap3A_104 : vector<1x16xf32> to vector<16xf32>
        %swap3A_106 = vector.shape_cast %get3A_11 : vector<16xf32> to vector<1x16xf32>
        tpu.vector_store %arg7[%swap3A_102, %swap3A_103], %swap3A_106 {strides = array<i32>} : memref<128x64xf32, #tpu.memory_space<vmem>>, vector<1x16xf32>,
        %scan3A_107 = arith.constant 0 : i32
        %scan3A_108 = arith.constant 3 : i32
        %scan3A_109 = arith.addi %scan3A_40, %scan3A_108 : i32
        %swap3A_110 = arith.index_cast %scan3A_109 : i32 to index
        %swap3A_111 = arith.constant 0 : index
        %swap3A_112 = tpu.vector_load %arg7[%swap3A_110, %swap3A_111] {strides = array<i32>} : memref<128x64xf32, #tpu.memory_space<vmem>>, vector<1x16xf32>,
        %swap3A_113 = vector.shape_cast %swap3A_112 : vector<1x16xf32> to vector<16xf32>
        %swap3A_114 = vector.shape_cast %get3A_2 : vector<16xf32> to vector<1x16xf32>
        tpu.vector_store %arg7[%swap3A_110, %swap3A_111], %swap3A_114 {strides = array<i32>} : memref<128x64xf32, #tpu.memory_space<vmem>>, vector<1x16xf32>,
        %swap3A_115 = arith.index_cast %scan3A_109 : i32 to index
        %swap3A_116 = arith.constant 16 : index
        %swap3A_117 = tpu.vector_load %arg7[%swap3A_115, %swap3A_116] {strides = array<i32>} : memref<128x64xf32, #tpu.memory_space<vmem>>, vector<1x16xf32>,
        %swap3A_118 = vector.shape_cast %swap3A_117 : vector<1x16xf32> to vector<16xf32>
        %swap3A_119 = vector.shape_cast %get3A_5 : vector<16xf32> to vector<1x16xf32>
        tpu.vector_store %arg7[%swap3A_115, %swap3A_116], %swap3A_119 {strides = array<i32>} : memref<128x64xf32, #tpu.memory_space<vmem>>, vector<1x16xf32>,
        %swap3A_120 = arith.index_cast %scan3A_109 : i32 to index
        %swap3A_121 = arith.constant 32 : index
        %swap3A_122 = tpu.vector_load %arg7[%swap3A_120, %swap3A_121] {strides = array<i32>} : memref<128x64xf32, #tpu.memory_space<vmem>>, vector<1x16xf32>,
        %swap3A_123 = vector.shape_cast %swap3A_122 : vector<1x16xf32> to vector<16xf32>
        %swap3A_124 = vector.shape_cast %get3A_8 : vector<16xf32> to vector<1x16xf32>
        tpu.vector_store %arg7[%swap3A_120, %swap3A_121], %swap3A_124 {strides = array<i32>} : memref<128x64xf32, #tpu.memory_space<vmem>>, vector<1x16xf32>,
        %swap3A_125 = arith.index_cast %scan3A_109 : i32 to index
        %swap3A_126 = arith.constant 48 : index
        %swap3A_127 = tpu.vector_load %arg7[%swap3A_125, %swap3A_126] {strides = array<i32>} : memref<128x64xf32, #tpu.memory_space<vmem>>, vector<1x16xf32>,
        %swap3A_128 = vector.shape_cast %swap3A_127 : vector<1x16xf32> to vector<16xf32>
        %swap3A_129 = vector.shape_cast %get3A_11 : vector<16xf32> to vector<1x16xf32>
        tpu.vector_store %arg7[%swap3A_125, %swap3A_126], %swap3A_129 {strides = array<i32>} : memref<128x64xf32, #tpu.memory_space<vmem>>, vector<1x16xf32>,
        %scan3A_130 = arith.constant 0 : i32
        scf.yield %scan3A_130 : i32
      }
      %scan3A_31 = arith.constant 128 : i32
      %scan3A_32 = arith.constant 0 : i32
      %scan3A_33 = arith.constant 0 : i32
      %scan3A_34 = arith.constant 2048 : i32
      %scan3A_35 = arith.addi %scan3A_33, %scan3A_34 : i32
      %scan3A_36 = arith.constant 1 : i32
      %scan3A_37 = scf.for %scan3A_40 = %scan3A_33 to %scan3A_35 step %scan3A_36 iter_args(%scan3A_41 = %scan3A_32) -> (i32)  : i32 {
        %jit3A = arith.constant 16 : i32
        %div3A = arith.divsi %scan3A_40, %jit3A : i32
        %sign3A = arith.constant 0 : i32
        %sign3A_42 = arith.cmpi sgt, %scan3A_40, %sign3A : i32
        %sign3A_43 = arith.extui %sign3A_42 : i1 to i32
        %sign3A_44 = arith.constant 0 : i32
        %sign3A_45 = arith.cmpi slt, %scan3A_40, %sign3A_44 : i32
        %sign3A_46 = arith.extui %sign3A_45 : i1 to i32
        %sign3A_47 = arith.subi %sign3A_43, %sign3A_46 : i32
        %sign3A_48 = arith.constant 0 : i32
        %sign3A_49 = arith.cmpi sgt, %jit3A, %sign3A_48 : i32
        %sign3A_50 = arith.extui %sign3A_49 : i1 to i32
        %sign3A_51 = arith.constant 0 : i32
        %sign3A_52 = arith.cmpi slt, %jit3A, %sign3A_51 : i32
        %sign3A_53 = arith.extui %sign3A_52 : i1 to i32
        %sign3A_54 = arith.subi %sign3A_50, %sign3A_53 : i32
        %ne3A = arith.cmpi ne, %sign3A_47, %sign3A_54 : i32
        %rem3A = arith.remsi %scan3A_40, %jit3A : i32
        %ne3A_55 = arith.constant 0 : i32
        %ne3A_56 = arith.cmpi ne, %rem3A, %ne3A_55 : i32
        %and3A = arith.andi %ne3A, %ne3A_56 : i1
        %sub3A = arith.constant 1 : i32
        %sub3A_57 = arith.subi %div3A, %sub3A : i32
        %select_n3A = arith.select %and3A, %sub3A_57, %div3A : i32
        %jit3A_58 = arith.constant 16 : i32
        %eq3A = arith.constant 0 : i32
        %eq3A_59 = arith.cmpi eq, %jit3A_58, %eq3A : i32
        %jit3A_60 = arith.constant 1 : i32
        %select_n3A_61 = arith.select %eq3A_59, %jit3A_60, %jit3A_58 : i32
        %rem3A_62 = arith.remsi %scan3A_40, %select_n3A_61 : i32
        %ne3A_63 = arith.constant 0 : i32
        %ne3A_64 = arith.cmpi ne, %rem3A_62, %ne3A_63 : i32
        %lt3A = arith.constant 0 : i32
        %lt3A_65 = arith.cmpi slt, %rem3A_62, %lt3A : i32
        %lt3A_66 = arith.constant 0 : i32
        %lt3A_67 = arith.cmpi slt, %select_n3A_61, %lt3A_66 : i32
        %ne3A_68 = arith.xori %lt3A_65, %lt3A_67 : i1
        %and3A_69 = arith.andi %ne3A_68, %ne3A_64 : i1
        %add3A_70 = arith.addi %rem3A_62, %select_n3A_61 : i32
        %select_n3A_71 = arith.select %and3A_69, %add3A_70, %rem3A_62 : i32
        %mul3A_72 = arith.constant 16 : i32
        %mul3A_73 = arith.muli %select_n3A_71, %mul3A_72 : i32
        %get3A_74 = arith.index_cast %select_n3A : i32 to index
        %get3A_75 = arith.index_cast %mul3A_73 : i32 to index
        %get3A_76 = tpu.vector_load %arg6[%get3A_74, %get3A_75] {strides = array<i32>} : memref<128x256xf32, #tpu.memory_space<vmem>>, vector<1x16xf32>,
        %get3A_77 = vector.shape_cast %get3A_76 : vector<1x16xf32> to vector<16xf32>
        %ne3A_78 = arith.constant 0.000000e+00 : f32
        %ne3A_79 = vector.broadcast %ne3A_78 : f32 to vector<16xf32>
        %ne3A_80 = arith.cmpf one, %get3A_77, %ne3A_79 : vector<16xf32>
        %jit3A_81 = arith.constant 1 : i32
        %jit3A_82 = arith.constant 0 : i32
        %broadcast_in_dim3A = vector.broadcast %jit3A_81 : i32 to vector<16xi32>
        %broadcast_in_dim3A_83 = vector.broadcast %jit3A_82 : i32 to vector<16xi32>
        %select_n3A_84 = arith.select %ne3A_80, %broadcast_in_dim3A, %broadcast_in_dim3A_83 : vector<16xi1>, vector<16xi32>
        %add3A_85 = arith.constant 1 : i32
        %add3A_86 = vector.broadcast %add3A_85 : i32 to vector<16xi32>
        %add3A_87 = arith.addi %iota3A, %add3A_86 : vector<16xi32>
        %and3A_88 = arith.constant 15 : i32
        %and3A_89 = vector.broadcast %and3A_88 : i32 to vector<16xi32>
        %and3A_90 = arith.andi %add3A_87, %and3A_89 : vector<16xi32>
        %lt3A_91 = arith.constant 0 : i32
        %lt3A_92 = vector.broadcast %lt3A_91 : i32 to vector<16xi32>
        %lt3A_93 = arith.cmpi slt, %and3A_90, %lt3A_92 : vector<16xi32>
        %add3A_94 = arith.constant 16 : i32
        %add3A_95 = vector.broadcast %add3A_94 : i32 to vector<16xi32>
        %add3A_96 = arith.addi %and3A_90, %add3A_95 : vector<16xi32>
        %select_n3A_97 = arith.select %lt3A_93, %add3A_96, %and3A_90 : vector<16xi1>, vector<16xi32>
        %broadcast_in_dim3A_98 = vector.shape_cast %select_n3A_97 : vector<16xi32> to vector<16x1xi32>
        %gather3A = vector.shape_cast %broadcast_in_dim3A_98 : vector<16x1xi32> to vector<16xi32>
        %gather3A_99 = tpu.dynamic_gather %select_n3A_84[%gather3A] in [0] : vector<16xi32>, vector<16xi32> -> vector<16xi32>
        %or3A = arith.ori %select_n3A_84, %gather3A_99 : vector<16xi32>
        %add3A_100 = arith.constant 2 : i32
        %add3A_101 = vector.broadcast %add3A_100 : i32 to vector<16xi32>
        %add3A_102 = arith.addi %iota3A, %add3A_101 : vector<16xi32>
        %and3A_103 = arith.constant 15 : i32
        %and3A_104 = vector.broadcast %and3A_103 : i32 to vector<16xi32>
        %and3A_105 = arith.andi %add3A_102, %and3A_104 : vector<16xi32>
        %lt3A_106 = arith.constant 0 : i32
        %lt3A_107 = vector.broadcast %lt3A_106 : i32 to vector<16xi32>
        %lt3A_108 = arith.cmpi slt, %and3A_105, %lt3A_107 : vector<16xi32>
        %add3A_109 = arith.constant 16 : i32
        %add3A_110 = vector.broadcast %add3A_109 : i32 to vector<16xi32>
        %add3A_111 = arith.addi %and3A_105, %add3A_110 : vector<16xi32>
        %select_n3A_112 = arith.select %lt3A_108, %add3A_111, %and3A_105 : vector<16xi1>, vector<16xi32>
        %broadcast_in_dim3A_113 = vector.shape_cast %select_n3A_112 : vector<16xi32> to vector<16x1xi32>
        %gather3A_114 = vector.shape_cast %broadcast_in_dim3A_113 : vector<16x1xi32> to vector<16xi32>
        %gather3A_115 = tpu.dynamic_gather %or3A[%gather3A_114] in [0] : vector<16xi32>, vector<16xi32> -> vector<16xi32>
        %or3A_116 = arith.ori %or3A, %gather3A_115 : vector<16xi32>
        %add3A_117 = arith.constant 4 : i32
        %add3A_118 = vector.broadcast %add3A_117 : i32 to vector<16xi32>
        %add3A_119 = arith.addi %iota3A, %add3A_118 : vector<16xi32>
        %and3A_120 = arith.constant 15 : i32
        %and3A_121 = vector.broadcast %and3A_120 : i32 to vector<16xi32>
        %and3A_122 = arith.andi %add3A_119, %and3A_121 : vector<16xi32>
        %lt3A_123 = arith.constant 0 : i32
        %lt3A_124 = vector.broadcast %lt3A_123 : i32 to vector<16xi32>
        %lt3A_125 = arith.cmpi slt, %and3A_122, %lt3A_124 : vector<16xi32>
        %add3A_126 = arith.constant 16 : i32
        %add3A_127 = vector.broadcast %add3A_126 : i32 to vector<16xi32>
        %add3A_128 = arith.addi %and3A_122, %add3A_127 : vector<16xi32>
        %select_n3A_129 = arith.select %lt3A_125, %add3A_128, %and3A_122 : vector<16xi1>, vector<16xi32>
        %broadcast_in_dim3A_130 = vector.shape_cast %select_n3A_129 : vector<16xi32> to vector<16x1xi32>
        %gather3A_131 = vector.shape_cast %broadcast_in_dim3A_130 : vector<16x1xi32> to vector<16xi32>
        %gather3A_132 = tpu.dynamic_gather %or3A_116[%gather3A_131] in [0] : vector<16xi32>, vector<16xi32> -> vector<16xi32>
        %or3A_133 = arith.ori %or3A_116, %gather3A_132 : vector<16xi32>
        %add3A_134 = arith.constant 8 : i32
        %add3A_135 = vector.broadcast %add3A_134 : i32 to vector<16xi32>
        %add3A_136 = arith.addi %iota3A, %add3A_135 : vector<16xi32>
        %and3A_137 = arith.constant 15 : i32
        %and3A_138 = vector.broadcast %and3A_137 : i32 to vector<16xi32>
        %and3A_139 = arith.andi %add3A_136, %and3A_138 : vector<16xi32>
        %lt3A_140 = arith.constant 0 : i32
        %lt3A_141 = vector.broadcast %lt3A_140 : i32 to vector<16xi32>
        %lt3A_142 = arith.cmpi slt, %and3A_139, %lt3A_141 : vector<16xi32>
        %add3A_143 = arith.constant 16 : i32
        %add3A_144 = vector.broadcast %add3A_143 : i32 to vector<16xi32>
        %add3A_145 = arith.addi %and3A_139, %add3A_144 : vector<16xi32>
        %select_n3A_146 = arith.select %lt3A_142, %add3A_145, %and3A_139 : vector<16xi1>, vector<16xi32>
        %broadcast_in_dim3A_147 = vector.shape_cast %select_n3A_146 : vector<16xi32> to vector<16x1xi32>
        %gather3A_148 = vector.shape_cast %broadcast_in_dim3A_147 : vector<16x1xi32> to vector<16xi32>
        %gather3A_149 = tpu.dynamic_gather %or3A_133[%gather3A_148] in [0] : vector<16xi32>, vector<16xi32> -> vector<16xi32>
        %or3A_150 = arith.ori %or3A_133, %gather3A_149 : vector<16xi32>
        %slice3A = vector.extract_strided_slice %or3A_150 {offsets = [0], sizes = [1], strides = [1]} : vector<16xi32> to vector<1xi32>
        %squeeze3A = vector.extract %slice3A[0] : i32 from vector<1xi32>
        %ne3A_151 = arith.constant 0 : i32
        %ne3A_152 = arith.cmpi ne, %squeeze3A, %ne3A_151 : i32
        %convert_element_type3A = arith.extui %ne3A_152 : i1 to i32
        %cond3A = arith.constant 0 : i32
        %cond3A_153 = arith.cmpi ne, %convert_element_type3A, %cond3A : i32
        scf.if %cond3A_153 {
          %slice3A_155 = vector.extract_strided_slice %get3A_77 {offsets = [0], sizes = [1], strides = [1]} : vector<16xf32> to vector<1xf32>
          %squeeze3A_156 = vector.extract %slice3A_155[0] : f32 from vector<1xf32>
          %ne3A_157 = arith.constant 0.000000e+00 : f32
          %ne3A_158 = arith.cmpf one, %squeeze3A_156, %ne3A_157 : f32
          %convert_element_type3A_159 = arith.extui %ne3A_158 : i1 to i32
          %cond3A_160 = arith.constant 0 : i32
          %cond3A_161 = arith.cmpi ne, %convert_element_type3A_159, %cond3A_160 : i32
          scf.if %cond3A_161 {
            %add3A_267 = arith.constant 0 : i32
            %add3A_268 = arith.addi %mul3A_73, %add3A_267 : i32
            %get3A_269 = arith.index_cast %select_n3A : i32 to index
            %get3A_270 = arith.constant 0 : index
            %get3A_271 = tpu.vector_load %arg7[%get3A_269, %get3A_270] {strides = array<i32>} : memref<128x64xf32, #tpu.memory_space<vmem>>, vector<1x16xf32>,
            %get3A_272 = vector.shape_cast %get3A_271 : vector<1x16xf32> to vector<16xf32>
            %get3A_273 = arith.index_cast %add3A_268 : i32 to index
            %get3A_274 = arith.constant 0 : index
            %get3A_275 = tpu.vector_load %arg8[%get3A_273, %get3A_274] {strides = array<i32>} : memref<256x64xf32, #tpu.memory_space<vmem>>, vector<1x16xf32>,
            %get3A_276 = vector.shape_cast %get3A_275 : vector<1x16xf32> to vector<16xf32>
            %mul3A_277 = vector.broadcast %squeeze3A_156 : f32 to vector<16xf32>
            %mul3A_278 = arith.mulf %mul3A_277, %get3A_276 : vector<16xf32>
            %add3A_279 = arith.addf %get3A_272, %mul3A_278 : vector<16xf32>
            %swap3A = arith.index_cast %select_n3A : i32 to index
            %swap3A_280 = arith.constant 0 : index
            %swap3A_281 = tpu.vector_load %arg7[%swap3A, %swap3A_280] {strides = array<i32>} : memref<128x64xf32, #tpu.memory_space<vmem>>, vector<1x16xf32>,
            %swap3A_282 = vector.shape_cast %swap3A_281 : vector<1x16xf32> to vector<16xf32>
            %swap3A_283 = vector.shape_cast %add3A_279 : vector<16xf32> to vector<1x16xf32>
            tpu.vector_store %arg7[%swap3A, %swap3A_280], %swap3A_283 {strides = array<i32>} : memref<128x64xf32, #tpu.memory_space<vmem>>, vector<1x16xf32>,
            %get3A_284 = arith.index_cast %select_n3A : i32 to index
            %get3A_285 = arith.constant 16 : index
            %get3A_286 = tpu.vector_load %arg7[%get3A_284, %get3A_285] {strides = array<i32>} : memref<128x64xf32, #tpu.memory_space<vmem>>, vector<1x16xf32>,
            %get3A_287 = vector.shape_cast %get3A_286 : vector<1x16xf32> to vector<16xf32>
            %get3A_288 = arith.index_cast %add3A_268 : i32 to index
            %get3A_289 = arith.constant 16 : index
            %get3A_290 = tpu.vector_load %arg8[%get3A_288, %get3A_289] {strides = array<i32>} : memref<256x64xf32, #tpu.memory_space<vmem>>, vector<1x16xf32>,
            %get3A_291 = vector.shape_cast %get3A_290 : vector<1x16xf32> to vector<16xf32>
            %mul3A_292 = vector.broadcast %squeeze3A_156 : f32 to vector<16xf32>
            %mul3A_293 = arith.mulf %mul3A_292, %get3A_291 : vector<16xf32>
            %add3A_294 = arith.addf %get3A_287, %mul3A_293 : vector<16xf32>
            %swap3A_295 = arith.index_cast %select_n3A : i32 to index
            %swap3A_296 = arith.constant 16 : index
            %swap3A_297 = tpu.vector_load %arg7[%swap3A_295, %swap3A_296] {strides = array<i32>} : memref<128x64xf32, #tpu.memory_space<vmem>>, vector<1x16xf32>,
            %swap3A_298 = vector.shape_cast %swap3A_297 : vector<1x16xf32> to vector<16xf32>
            %swap3A_299 = vector.shape_cast %add3A_294 : vector<16xf32> to vector<1x16xf32>
            tpu.vector_store %arg7[%swap3A_295, %swap3A_296], %swap3A_299 {strides = array<i32>} : memref<128x64xf32, #tpu.memory_space<vmem>>, vector<1x16xf32>,
            %get3A_300 = arith.index_cast %select_n3A : i32 to index
            %get3A_301 = arith.constant 32 : index
            %get3A_302 = tpu.vector_load %arg7[%get3A_300, %get3A_301] {strides = array<i32>} : memref<128x64xf32, #tpu.memory_space<vmem>>, vector<1x16xf32>,
            %get3A_303 = vector.shape_cast %get3A_302 : vector<1x16xf32> to vector<16xf32>
            %get3A_304 = arith.index_cast %add3A_268 : i32 to index
            %get3A_305 = arith.constant 32 : index
            %get3A_306 = tpu.vector_load %arg8[%get3A_304, %get3A_305] {strides = array<i32>} : memref<256x64xf32, #tpu.memory_space<vmem>>, vector<1x16xf32>,
            %get3A_307 = vector.shape_cast %get3A_306 : vector<1x16xf32> to vector<16xf32>
            %mul3A_308 = vector.broadcast %squeeze3A_156 : f32 to vector<16xf32>
            %mul3A_309 = arith.mulf %mul3A_308, %get3A_307 : vector<16xf32>
            %add3A_310 = arith.addf %get3A_303, %mul3A_309 : vector<16xf32>
            %swap3A_311 = arith.index_cast %select_n3A : i32 to index
            %swap3A_312 = arith.constant 32 : index
            %swap3A_313 = tpu.vector_load %arg7[%swap3A_311, %swap3A_312] {strides = array<i32>} : memref<128x64xf32, #tpu.memory_space<vmem>>, vector<1x16xf32>,
            %swap3A_314 = vector.shape_cast %swap3A_313 : vector<1x16xf32> to vector<16xf32>
            %swap3A_315 = vector.shape_cast %add3A_310 : vector<16xf32> to vector<1x16xf32>
            tpu.vector_store %arg7[%swap3A_311, %swap3A_312], %swap3A_315 {strides = array<i32>} : memref<128x64xf32, #tpu.memory_space<vmem>>, vector<1x16xf32>,
            %get3A_316 = arith.index_cast %select_n3A : i32 to index
            %get3A_317 = arith.constant 48 : index
            %get3A_318 = tpu.vector_load %arg7[%get3A_316, %get3A_317] {strides = array<i32>} : memref<128x64xf32, #tpu.memory_space<vmem>>, vector<1x16xf32>,
            %get3A_319 = vector.shape_cast %get3A_318 : vector<1x16xf32> to vector<16xf32>
            %get3A_320 = arith.index_cast %add3A_268 : i32 to index
            %get3A_321 = arith.constant 48 : index
            %get3A_322 = tpu.vector_load %arg8[%get3A_320, %get3A_321] {strides = array<i32>} : memref<256x64xf32, #tpu.memory_space<vmem>>, vector<1x16xf32>,
            %get3A_323 = vector.shape_cast %get3A_322 : vector<1x16xf32> to vector<16xf32>
            %mul3A_324 = vector.broadcast %squeeze3A_156 : f32 to vector<16xf32>
            %mul3A_325 = arith.mulf %mul3A_324, %get3A_323 : vector<16xf32>
            %add3A_326 = arith.addf %get3A_319, %mul3A_325 : vector<16xf32>
            %swap3A_327 = arith.index_cast %select_n3A : i32 to index
            %swap3A_328 = arith.constant 48 : index
            %swap3A_329 = tpu.vector_load %arg7[%swap3A_327, %swap3A_328] {strides = array<i32>} : memref<128x64xf32, #tpu.memory_space<vmem>>, vector<1x16xf32>,
            %swap3A_330 = vector.shape_cast %swap3A_329 : vector<1x16xf32> to vector<16xf32>
            %swap3A_331 = vector.shape_cast %add3A_326 : vector<16xf32> to vector<1x16xf32>
            tpu.vector_store %arg7[%swap3A_327, %swap3A_328], %swap3A_331 {strides = array<i32>} : memref<128x64xf32, #tpu.memory_space<vmem>>, vector<1x16xf32>,
          } else {
          }
          %slice3A_162 = vector.extract_strided_slice %get3A_77 {offsets = [1], sizes = [1], strides = [1]} : vector<16xf32> to vector<1xf32>
          %squeeze3A_163 = vector.extract %slice3A_162[0] : f32 from vector<1xf32>
          %ne3A_164 = arith.constant 0.000000e+00 : f32
          %ne3A_165 = arith.cmpf one, %squeeze3A_163, %ne3A_164 : f32
          %convert_element_type3A_166 = arith.extui %ne3A_165 : i1 to i32
          %cond3A_167 = arith.constant 0 : i32
          %cond3A_168 = arith.cmpi ne, %convert_element_type3A_166, %cond3A_167 : i32
          scf.if %cond3A_168 {
            %add3A_267 = arith.constant 1 : i32
            %add3A_268 = arith.addi %mul3A_73, %add3A_267 : i32
            %get3A_269 = arith.index_cast %select_n3A : i32 to index
            %get3A_270 = arith.constant 0 : index
            %get3A_271 = tpu.vector_load %arg7[%get3A_269, %get3A_270] {strides = array<i32>} : memref<128x64xf32, #tpu.memory_space<vmem>>, vector<1x16xf32>,
            %get3A_272 = vector.shape_cast %get3A_271 : vector<1x16xf32> to vector<16xf32>
            %get3A_273 = arith.index_cast %add3A_268 : i32 to index
            %get3A_274 = arith.constant 0 : index
            %get3A_275 = tpu.vector_load %arg8[%get3A_273, %get3A_274] {strides = array<i32>} : memref<256x64xf32, #tpu.memory_space<vmem>>, vector<1x16xf32>,
            %get3A_276 = vector.shape_cast %get3A_275 : vector<1x16xf32> to vector<16xf32>
            %mul3A_277 = vector.broadcast %squeeze3A_163 : f32 to vector<16xf32>
            %mul3A_278 = arith.mulf %mul3A_277, %get3A_276 : vector<16xf32>
            %add3A_279 = arith.addf %get3A_272, %mul3A_278 : vector<16xf32>
            %swap3A = arith.index_cast %select_n3A : i32 to index
            %swap3A_280 = arith.constant 0 : index
            %swap3A_281 = tpu.vector_load %arg7[%swap3A, %swap3A_280] {strides = array<i32>} : memref<128x64xf32, #tpu.memory_space<vmem>>, vector<1x16xf32>,
            %swap3A_282 = vector.shape_cast %swap3A_281 : vector<1x16xf32> to vector<16xf32>
            %swap3A_283 = vector.shape_cast %add3A_279 : vector<16xf32> to vector<1x16xf32>
            tpu.vector_store %arg7[%swap3A, %swap3A_280], %swap3A_283 {strides = array<i32>} : memref<128x64xf32, #tpu.memory_space<vmem>>, vector<1x16xf32>,
            %get3A_284 = arith.index_cast %select_n3A : i32 to index
            %get3A_285 = arith.constant 16 : index
            %get3A_286 = tpu.vector_load %arg7[%get3A_284, %get3A_285] {strides = array<i32>} : memref<128x64xf32, #tpu.memory_space<vmem>>, vector<1x16xf32>,
            %get3A_287 = vector.shape_cast %get3A_286 : vector<1x16xf32> to vector<16xf32>
            %get3A_288 = arith.index_cast %add3A_268 : i32 to index
            %get3A_289 = arith.constant 16 : index
            %get3A_290 = tpu.vector_load %arg8[%get3A_288, %get3A_289] {strides = array<i32>} : memref<256x64xf32, #tpu.memory_space<vmem>>, vector<1x16xf32>,
            %get3A_291 = vector.shape_cast %get3A_290 : vector<1x16xf32> to vector<16xf32>
            %mul3A_292 = vector.broadcast %squeeze3A_163 : f32 to vector<16xf32>
            %mul3A_293 = arith.mulf %mul3A_292, %get3A_291 : vector<16xf32>
            %add3A_294 = arith.addf %get3A_287, %mul3A_293 : vector<16xf32>
            %swap3A_295 = arith.index_cast %select_n3A : i32 to index
            %swap3A_296 = arith.constant 16 : index
            %swap3A_297 = tpu.vector_load %arg7[%swap3A_295, %swap3A_296] {strides = array<i32>} : memref<128x64xf32, #tpu.memory_space<vmem>>, vector<1x16xf32>,
            %swap3A_298 = vector.shape_cast %swap3A_297 : vector<1x16xf32> to vector<16xf32>
            %swap3A_299 = vector.shape_cast %add3A_294 : vector<16xf32> to vector<1x16xf32>
            tpu.vector_store %arg7[%swap3A_295, %swap3A_296], %swap3A_299 {strides = array<i32>} : memref<128x64xf32, #tpu.memory_space<vmem>>, vector<1x16xf32>,
            %get3A_300 = arith.index_cast %select_n3A : i32 to index
            %get3A_301 = arith.constant 32 : index
            %get3A_302 = tpu.vector_load %arg7[%get3A_300, %get3A_301] {strides = array<i32>} : memref<128x64xf32, #tpu.memory_space<vmem>>, vector<1x16xf32>,
            %get3A_303 = vector.shape_cast %get3A_302 : vector<1x16xf32> to vector<16xf32>
            %get3A_304 = arith.index_cast %add3A_268 : i32 to index
            %get3A_305 = arith.constant 32 : index
            %get3A_306 = tpu.vector_load %arg8[%get3A_304, %get3A_305] {strides = array<i32>} : memref<256x64xf32, #tpu.memory_space<vmem>>, vector<1x16xf32>,
            %get3A_307 = vector.shape_cast %get3A_306 : vector<1x16xf32> to vector<16xf32>
            %mul3A_308 = vector.broadcast %squeeze3A_163 : f32 to vector<16xf32>
            %mul3A_309 = arith.mulf %mul3A_308, %get3A_307 : vector<16xf32>
            %add3A_310 = arith.addf %get3A_303, %mul3A_309 : vector<16xf32>
            %swap3A_311 = arith.index_cast %select_n3A : i32 to index
            %swap3A_312 = arith.constant 32 : index
            %swap3A_313 = tpu.vector_load %arg7[%swap3A_311, %swap3A_312] {strides = array<i32>} : memref<128x64xf32, #tpu.memory_space<vmem>>, vector<1x16xf32>,
            %swap3A_314 = vector.shape_cast %swap3A_313 : vector<1x16xf32> to vector<16xf32>
            %swap3A_315 = vector.shape_cast %add3A_310 : vector<16xf32> to vector<1x16xf32>
            tpu.vector_store %arg7[%swap3A_311, %swap3A_312], %swap3A_315 {strides = array<i32>} : memref<128x64xf32, #tpu.memory_space<vmem>>, vector<1x16xf32>,
            %get3A_316 = arith.index_cast %select_n3A : i32 to index
            %get3A_317 = arith.constant 48 : index
            %get3A_318 = tpu.vector_load %arg7[%get3A_316, %get3A_317] {strides = array<i32>} : memref<128x64xf32, #tpu.memory_space<vmem>>, vector<1x16xf32>,
            %get3A_319 = vector.shape_cast %get3A_318 : vector<1x16xf32> to vector<16xf32>
            %get3A_320 = arith.index_cast %add3A_268 : i32 to index
            %get3A_321 = arith.constant 48 : index
            %get3A_322 = tpu.vector_load %arg8[%get3A_320, %get3A_321] {strides = array<i32>} : memref<256x64xf32, #tpu.memory_space<vmem>>, vector<1x16xf32>,
            %get3A_323 = vector.shape_cast %get3A_322 : vector<1x16xf32> to vector<16xf32>
            %mul3A_324 = vector.broadcast %squeeze3A_163 : f32 to vector<16xf32>
            %mul3A_325 = arith.mulf %mul3A_324, %get3A_323 : vector<16xf32>
            %add3A_326 = arith.addf %get3A_319, %mul3A_325 : vector<16xf32>
            %swap3A_327 = arith.index_cast %select_n3A : i32 to index
            %swap3A_328 = arith.constant 48 : index
            %swap3A_329 = tpu.vector_load %arg7[%swap3A_327, %swap3A_328] {strides = array<i32>} : memref<128x64xf32, #tpu.memory_space<vmem>>, vector<1x16xf32>,
            %swap3A_330 = vector.shape_cast %swap3A_329 : vector<1x16xf32> to vector<16xf32>
            %swap3A_331 = vector.shape_cast %add3A_326 : vector<16xf32> to vector<1x16xf32>
            tpu.vector_store %arg7[%swap3A_327, %swap3A_328], %swap3A_331 {strides = array<i32>} : memref<128x64xf32, #tpu.memory_space<vmem>>, vector<1x16xf32>,
          } else {
          }
          %slice3A_169 = vector.extract_strided_slice %get3A_77 {offsets = [2], sizes = [1], strides = [1]} : vector<16xf32> to vector<1xf32>
          %squeeze3A_170 = vector.extract %slice3A_169[0] : f32 from vector<1xf32>
          %ne3A_171 = arith.constant 0.000000e+00 : f32
          %ne3A_172 = arith.cmpf one, %squeeze3A_170, %ne3A_171 : f32
          %convert_element_type3A_173 = arith.extui %ne3A_172 : i1 to i32
          %cond3A_174 = arith.constant 0 : i32
          %cond3A_175 = arith.cmpi ne, %convert_element_type3A_173, %cond3A_174 : i32
          scf.if %cond3A_175 {
            %add3A_267 = arith.constant 2 : i32
            %add3A_268 = arith.addi %mul3A_73, %add3A_267 : i32
            %get3A_269 = arith.index_cast %select_n3A : i32 to index
            %get3A_270 = arith.constant 0 : index
            %get3A_271 = tpu.vector_load %arg7[%get3A_269, %get3A_270] {strides = array<i32>} : memref<128x64xf32, #tpu.memory_space<vmem>>, vector<1x16xf32>,
            %get3A_272 = vector.shape_cast %get3A_271 : vector<1x16xf32> to vector<16xf32>
            %get3A_273 = arith.index_cast %add3A_268 : i32 to index
            %get3A_274 = arith.constant 0 : index
            %get3A_275 = tpu.vector_load %arg8[%get3A_273, %get3A_274] {strides = array<i32>} : memref<256x64xf32, #tpu.memory_space<vmem>>, vector<1x16xf32>,
            %get3A_276 = vector.shape_cast %get3A_275 : vector<1x16xf32> to vector<16xf32>
            %mul3A_277 = vector.broadcast %squeeze3A_170 : f32 to vector<16xf32>
            %mul3A_278 = arith.mulf %mul3A_277, %get3A_276 : vector<16xf32>
            %add3A_279 = arith.addf %get3A_272, %mul3A_278 : vector<16xf32>
            %swap3A = arith.index_cast %select_n3A : i32 to index
            %swap3A_280 = arith.constant 0 : index
            %swap3A_281 = tpu.vector_load %arg7[%swap3A, %swap3A_280] {strides = array<i32>} : memref<128x64xf32, #tpu.memory_space<vmem>>, vector<1x16xf32>,
            %swap3A_282 = vector.shape_cast %swap3A_281 : vector<1x16xf32> to vector<16xf32>
            %swap3A_283 = vector.shape_cast %add3A_279 : vector<16xf32> to vector<1x16xf32>
            tpu.vector_store %arg7[%swap3A, %swap3A_280], %swap3A_283 {strides = array<i32>} : memref<128x64xf32, #tpu.memory_space<vmem>>, vector<1x16xf32>,
            %get3A_284 = arith.index_cast %select_n3A : i32 to index
            %get3A_285 = arith.constant 16 : index
            %get3A_286 = tpu.vector_load %arg7[%get3A_284, %get3A_285] {strides = array<i32>} : memref<128x64xf32, #tpu.memory_space<vmem>>, vector<1x16xf32>,
            %get3A_287 = vector.shape_cast %get3A_286 : vector<1x16xf32> to vector<16xf32>
            %get3A_288 = arith.index_cast %add3A_268 : i32 to index
            %get3A_289 = arith.constant 16 : index
            %get3A_290 = tpu.vector_load %arg8[%get3A_288, %get3A_289] {strides = array<i32>} : memref<256x64xf32, #tpu.memory_space<vmem>>, vector<1x16xf32>,
            %get3A_291 = vector.shape_cast %get3A_290 : vector<1x16xf32> to vector<16xf32>
            %mul3A_292 = vector.broadcast %squeeze3A_170 : f32 to vector<16xf32>
            %mul3A_293 = arith.mulf %mul3A_292, %get3A_291 : vector<16xf32>
            %add3A_294 = arith.addf %get3A_287, %mul3A_293 : vector<16xf32>
            %swap3A_295 = arith.index_cast %select_n3A : i32 to index
            %swap3A_296 = arith.constant 16 : index
            %swap3A_297 = tpu.vector_load %arg7[%swap3A_295, %swap3A_296] {strides = array<i32>} : memref<128x64xf32, #tpu.memory_space<vmem>>, vector<1x16xf32>,
            %swap3A_298 = vector.shape_cast %swap3A_297 : vector<1x16xf32> to vector<16xf32>
            %swap3A_299 = vector.shape_cast %add3A_294 : vector<16xf32> to vector<1x16xf32>
            tpu.vector_store %arg7[%swap3A_295, %swap3A_296], %swap3A_299 {strides = array<i32>} : memref<128x64xf32, #tpu.memory_space<vmem>>, vector<1x16xf32>,
            %get3A_300 = arith.index_cast %select_n3A : i32 to index
            %get3A_301 = arith.constant 32 : index
            %get3A_302 = tpu.vector_load %arg7[%get3A_300, %get3A_301] {strides = array<i32>} : memref<128x64xf32, #tpu.memory_space<vmem>>, vector<1x16xf32>,
            %get3A_303 = vector.shape_cast %get3A_302 : vector<1x16xf32> to vector<16xf32>
            %get3A_304 = arith.index_cast %add3A_268 : i32 to index
            %get3A_305 = arith.constant 32 : index
            %get3A_306 = tpu.vector_load %arg8[%get3A_304, %get3A_305] {strides = array<i32>} : memref<256x64xf32, #tpu.memory_space<vmem>>, vector<1x16xf32>,
            %get3A_307 = vector.shape_cast %get3A_306 : vector<1x16xf32> to vector<16xf32>
            %mul3A_308 = vector.broadcast %squeeze3A_170 : f32 to vector<16xf32>
            %mul3A_309 = arith.mulf %mul3A_308, %get3A_307 : vector<16xf32>
            %add3A_310 = arith.addf %get3A_303, %mul3A_309 : vector<16xf32>
            %swap3A_311 = arith.index_cast %select_n3A : i32 to index
            %swap3A_312 = arith.constant 32 : index
            %swap3A_313 = tpu.vector_load %arg7[%swap3A_311, %swap3A_312] {strides = array<i32>} : memref<128x64xf32, #tpu.memory_space<vmem>>, vector<1x16xf32>,
            %swap3A_314 = vector.shape_cast %swap3A_313 : vector<1x16xf32> to vector<16xf32>
            %swap3A_315 = vector.shape_cast %add3A_310 : vector<16xf32> to vector<1x16xf32>
            tpu.vector_store %arg7[%swap3A_311, %swap3A_312], %swap3A_315 {strides = array<i32>} : memref<128x64xf32, #tpu.memory_space<vmem>>, vector<1x16xf32>,
            %get3A_316 = arith.index_cast %select_n3A : i32 to index
            %get3A_317 = arith.constant 48 : index
            %get3A_318 = tpu.vector_load %arg7[%get3A_316, %get3A_317] {strides = array<i32>} : memref<128x64xf32, #tpu.memory_space<vmem>>, vector<1x16xf32>,
            %get3A_319 = vector.shape_cast %get3A_318 : vector<1x16xf32> to vector<16xf32>
            %get3A_320 = arith.index_cast %add3A_268 : i32 to index
            %get3A_321 = arith.constant 48 : index
            %get3A_322 = tpu.vector_load %arg8[%get3A_320, %get3A_321] {strides = array<i32>} : memref<256x64xf32, #tpu.memory_space<vmem>>, vector<1x16xf32>,
            %get3A_323 = vector.shape_cast %get3A_322 : vector<1x16xf32> to vector<16xf32>
            %mul3A_324 = vector.broadcast %squeeze3A_170 : f32 to vector<16xf32>
            %mul3A_325 = arith.mulf %mul3A_324, %get3A_323 : vector<16xf32>
            %add3A_326 = arith.addf %get3A_319, %mul3A_325 : vector<16xf32>
            %swap3A_327 = arith.index_cast %select_n3A : i32 to index
            %swap3A_328 = arith.constant 48 : index
            %swap3A_329 = tpu.vector_load %arg7[%swap3A_327, %swap3A_328] {strides = array<i32>} : memref<128x64xf32, #tpu.memory_space<vmem>>, vector<1x16xf32>,
            %swap3A_330 = vector.shape_cast %swap3A_329 : vector<1x16xf32> to vector<16xf32>
            %swap3A_331 = vector.shape_cast %add3A_326 : vector<16xf32> to vector<1x16xf32>
            tpu.vector_store %arg7[%swap3A_327, %swap3A_328], %swap3A_331 {strides = array<i32>} : memref<128x64xf32, #tpu.memory_space<vmem>>, vector<1x16xf32>,
          } else {
          }
          %slice3A_176 = vector.extract_strided_slice %get3A_77 {offsets = [3], sizes = [1], strides = [1]} : vector<16xf32> to vector<1xf32>
          %squeeze3A_177 = vector.extract %slice3A_176[0] : f32 from vector<1xf32>
          %ne3A_178 = arith.constant 0.000000e+00 : f32
          %ne3A_179 = arith.cmpf one, %squeeze3A_177, %ne3A_178 : f32
          %convert_element_type3A_180 = arith.extui %ne3A_179 : i1 to i32
          %cond3A_181 = arith.constant 0 : i32
          %cond3A_182 = arith.cmpi ne, %convert_element_type3A_180, %cond3A_181 : i32
          scf.if %cond3A_182 {
            %add3A_267 = arith.constant 3 : i32
            %add3A_268 = arith.addi %mul3A_73, %add3A_267 : i32
            %get3A_269 = arith.index_cast %select_n3A : i32 to index
            %get3A_270 = arith.constant 0 : index
            %get3A_271 = tpu.vector_load %arg7[%get3A_269, %get3A_270] {strides = array<i32>} : memref<128x64xf32, #tpu.memory_space<vmem>>, vector<1x16xf32>,
            %get3A_272 = vector.shape_cast %get3A_271 : vector<1x16xf32> to vector<16xf32>
            %get3A_273 = arith.index_cast %add3A_268 : i32 to index
            %get3A_274 = arith.constant 0 : index
            %get3A_275 = tpu.vector_load %arg8[%get3A_273, %get3A_274] {strides = array<i32>} : memref<256x64xf32, #tpu.memory_space<vmem>>, vector<1x16xf32>,
            %get3A_276 = vector.shape_cast %get3A_275 : vector<1x16xf32> to vector<16xf32>
            %mul3A_277 = vector.broadcast %squeeze3A_177 : f32 to vector<16xf32>
            %mul3A_278 = arith.mulf %mul3A_277, %get3A_276 : vector<16xf32>
            %add3A_279 = arith.addf %get3A_272, %mul3A_278 : vector<16xf32>
            %swap3A = arith.index_cast %select_n3A : i32 to index
            %swap3A_280 = arith.constant 0 : index
            %swap3A_281 = tpu.vector_load %arg7[%swap3A, %swap3A_280] {strides = array<i32>} : memref<128x64xf32, #tpu.memory_space<vmem>>, vector<1x16xf32>,
            %swap3A_282 = vector.shape_cast %swap3A_281 : vector<1x16xf32> to vector<16xf32>
            %swap3A_283 = vector.shape_cast %add3A_279 : vector<16xf32> to vector<1x16xf32>
            tpu.vector_store %arg7[%swap3A, %swap3A_280], %swap3A_283 {strides = array<i32>} : memref<128x64xf32, #tpu.memory_space<vmem>>, vector<1x16xf32>,
            %get3A_284 = arith.index_cast %select_n3A : i32 to index
            %get3A_285 = arith.constant 16 : index
            %get3A_286 = tpu.vector_load %arg7[%get3A_284, %get3A_285] {strides = array<i32>} : memref<128x64xf32, #tpu.memory_space<vmem>>, vector<1x16xf32>,
            %get3A_287 = vector.shape_cast %get3A_286 : vector<1x16xf32> to vector<16xf32>
            %get3A_288 = arith.index_cast %add3A_268 : i32 to index
            %get3A_289 = arith.constant 16 : index
            %get3A_290 = tpu.vector_load %arg8[%get3A_288, %get3A_289] {strides = array<i32>} : memref<256x64xf32, #tpu.memory_space<vmem>>, vector<1x16xf32>,
            %get3A_291 = vector.shape_cast %get3A_290 : vector<1x16xf32> to vector<16xf32>
            %mul3A_292 = vector.broadcast %squeeze3A_177 : f32 to vector<16xf32>
            %mul3A_293 = arith.mulf %mul3A_292, %get3A_291 : vector<16xf32>
            %add3A_294 = arith.addf %get3A_287, %mul3A_293 : vector<16xf32>
            %swap3A_295 = arith.index_cast %select_n3A : i32 to index
            %swap3A_296 = arith.constant 16 : index
            %swap3A_297 = tpu.vector_load %arg7[%swap3A_295, %swap3A_296] {strides = array<i32>} : memref<128x64xf32, #tpu.memory_space<vmem>>, vector<1x16xf32>,
            %swap3A_298 = vector.shape_cast %swap3A_297 : vector<1x16xf32> to vector<16xf32>
            %swap3A_299 = vector.shape_cast %add3A_294 : vector<16xf32> to vector<1x16xf32>
            tpu.vector_store %arg7[%swap3A_295, %swap3A_296], %swap3A_299 {strides = array<i32>} : memref<128x64xf32, #tpu.memory_space<vmem>>, vector<1x16xf32>,
            %get3A_300 = arith.index_cast %select_n3A : i32 to index
            %get3A_301 = arith.constant 32 : index
            %get3A_302 = tpu.vector_load %arg7[%get3A_300, %get3A_301] {strides = array<i32>} : memref<128x64xf32, #tpu.memory_space<vmem>>, vector<1x16xf32>,
            %get3A_303 = vector.shape_cast %get3A_302 : vector<1x16xf32> to vector<16xf32>
            %get3A_304 = arith.index_cast %add3A_268 : i32 to index
            %get3A_305 = arith.constant 32 : index
            %get3A_306 = tpu.vector_load %arg8[%get3A_304, %get3A_305] {strides = array<i32>} : memref<256x64xf32, #tpu.memory_space<vmem>>, vector<1x16xf32>,
            %get3A_307 = vector.shape_cast %get3A_306 : vector<1x16xf32> to vector<16xf32>
            %mul3A_308 = vector.broadcast %squeeze3A_177 : f32 to vector<16xf32>
            %mul3A_309 = arith.mulf %mul3A_308, %get3A_307 : vector<16xf32>
            %add3A_310 = arith.addf %get3A_303, %mul3A_309 : vector<16xf32>
            %swap3A_311 = arith.index_cast %select_n3A : i32 to index
            %swap3A_312 = arith.constant 32 : index
            %swap3A_313 = tpu.vector_load %arg7[%swap3A_311, %swap3A_312] {strides = array<i32>} : memref<128x64xf32, #tpu.memory_space<vmem>>, vector<1x16xf32>,
            %swap3A_314 = vector.shape_cast %swap3A_313 : vector<1x16xf32> to vector<16xf32>
            %swap3A_315 = vector.shape_cast %add3A_310 : vector<16xf32> to vector<1x16xf32>
            tpu.vector_store %arg7[%swap3A_311, %swap3A_312], %swap3A_315 {strides = array<i32>} : memref<128x64xf32, #tpu.memory_space<vmem>>, vector<1x16xf32>,
            %get3A_316 = arith.index_cast %select_n3A : i32 to index
            %get3A_317 = arith.constant 48 : index
            %get3A_318 = tpu.vector_load %arg7[%get3A_316, %get3A_317] {strides = array<i32>} : memref<128x64xf32, #tpu.memory_space<vmem>>, vector<1x16xf32>,
            %get3A_319 = vector.shape_cast %get3A_318 : vector<1x16xf32> to vector<16xf32>
            %get3A_320 = arith.index_cast %add3A_268 : i32 to index
            %get3A_321 = arith.constant 48 : index
            %get3A_322 = tpu.vector_load %arg8[%get3A_320, %get3A_321] {strides = array<i32>} : memref<256x64xf32, #tpu.memory_space<vmem>>, vector<1x16xf32>,
            %get3A_323 = vector.shape_cast %get3A_322 : vector<1x16xf32> to vector<16xf32>
            %mul3A_324 = vector.broadcast %squeeze3A_177 : f32 to vector<16xf32>
            %mul3A_325 = arith.mulf %mul3A_324, %get3A_323 : vector<16xf32>
            %add3A_326 = arith.addf %get3A_319, %mul3A_325 : vector<16xf32>
            %swap3A_327 = arith.index_cast %select_n3A : i32 to index
            %swap3A_328 = arith.constant 48 : index
            %swap3A_329 = tpu.vector_load %arg7[%swap3A_327, %swap3A_328] {strides = array<i32>} : memref<128x64xf32, #tpu.memory_space<vmem>>, vector<1x16xf32>,
            %swap3A_330 = vector.shape_cast %swap3A_329 : vector<1x16xf32> to vector<16xf32>
            %swap3A_331 = vector.shape_cast %add3A_326 : vector<16xf32> to vector<1x16xf32>
            tpu.vector_store %arg7[%swap3A_327, %swap3A_328], %swap3A_331 {strides = array<i32>} : memref<128x64xf32, #tpu.memory_space<vmem>>, vector<1x16xf32>,
          } else {
          }
          %slice3A_183 = vector.extract_strided_slice %get3A_77 {offsets = [4], sizes = [1], strides = [1]} : vector<16xf32> to vector<1xf32>
          %squeeze3A_184 = vector.extract %slice3A_183[0] : f32 from vector<1xf32>
          %ne3A_185 = arith.constant 0.000000e+00 : f32
          %ne3A_186 = arith.cmpf one, %squeeze3A_184, %ne3A_185 : f32
          %convert_element_type3A_187 = arith.extui %ne3A_186 : i1 to i32
          %cond3A_188 = arith.constant 0 : i32
          %cond3A_189 = arith.cmpi ne, %convert_element_type3A_187, %cond3A_188 : i32
          scf.if %cond3A_189 {
            %add3A_267 = arith.constant 4 : i32
            %add3A_268 = arith.addi %mul3A_73, %add3A_267 : i32
            %get3A_269 = arith.index_cast %select_n3A : i32 to index
            %get3A_270 = arith.constant 0 : index
            %get3A_271 = tpu.vector_load %arg7[%get3A_269, %get3A_270] {strides = array<i32>} : memref<128x64xf32, #tpu.memory_space<vmem>>, vector<1x16xf32>,
            %get3A_272 = vector.shape_cast %get3A_271 : vector<1x16xf32> to vector<16xf32>
            %get3A_273 = arith.index_cast %add3A_268 : i32 to index
            %get3A_274 = arith.constant 0 : index
            %get3A_275 = tpu.vector_load %arg8[%get3A_273, %get3A_274] {strides = array<i32>} : memref<256x64xf32, #tpu.memory_space<vmem>>, vector<1x16xf32>,
            %get3A_276 = vector.shape_cast %get3A_275 : vector<1x16xf32> to vector<16xf32>
            %mul3A_277 = vector.broadcast %squeeze3A_184 : f32 to vector<16xf32>
            %mul3A_278 = arith.mulf %mul3A_277, %get3A_276 : vector<16xf32>
            %add3A_279 = arith.addf %get3A_272, %mul3A_278 : vector<16xf32>
            %swap3A = arith.index_cast %select_n3A : i32 to index
            %swap3A_280 = arith.constant 0 : index
            %swap3A_281 = tpu.vector_load %arg7[%swap3A, %swap3A_280] {strides = array<i32>} : memref<128x64xf32, #tpu.memory_space<vmem>>, vector<1x16xf32>,
            %swap3A_282 = vector.shape_cast %swap3A_281 : vector<1x16xf32> to vector<16xf32>
            %swap3A_283 = vector.shape_cast %add3A_279 : vector<16xf32> to vector<1x16xf32>
            tpu.vector_store %arg7[%swap3A, %swap3A_280], %swap3A_283 {strides = array<i32>} : memref<128x64xf32, #tpu.memory_space<vmem>>, vector<1x16xf32>,
            %get3A_284 = arith.index_cast %select_n3A : i32 to index
            %get3A_285 = arith.constant 16 : index
            %get3A_286 = tpu.vector_load %arg7[%get3A_284, %get3A_285] {strides = array<i32>} : memref<128x64xf32, #tpu.memory_space<vmem>>, vector<1x16xf32>,
            %get3A_287 = vector.shape_cast %get3A_286 : vector<1x16xf32> to vector<16xf32>
            %get3A_288 = arith.index_cast %add3A_268 : i32 to index
            %get3A_289 = arith.constant 16 : index
            %get3A_290 = tpu.vector_load %arg8[%get3A_288, %get3A_289] {strides = array<i32>} : memref<256x64xf32, #tpu.memory_space<vmem>>, vector<1x16xf32>,
            %get3A_291 = vector.shape_cast %get3A_290 : vector<1x16xf32> to vector<16xf32>
            %mul3A_292 = vector.broadcast %squeeze3A_184 : f32 to vector<16xf32>
            %mul3A_293 = arith.mulf %mul3A_292, %get3A_291 : vector<16xf32>
            %add3A_294 = arith.addf %get3A_287, %mul3A_293 : vector<16xf32>
            %swap3A_295 = arith.index_cast %select_n3A : i32 to index
            %swap3A_296 = arith.constant 16 : index
            %swap3A_297 = tpu.vector_load %arg7[%swap3A_295, %swap3A_296] {strides = array<i32>} : memref<128x64xf32, #tpu.memory_space<vmem>>, vector<1x16xf32>,
            %swap3A_298 = vector.shape_cast %swap3A_297 : vector<1x16xf32> to vector<16xf32>
            %swap3A_299 = vector.shape_cast %add3A_294 : vector<16xf32> to vector<1x16xf32>
            tpu.vector_store %arg7[%swap3A_295, %swap3A_296], %swap3A_299 {strides = array<i32>} : memref<128x64xf32, #tpu.memory_space<vmem>>, vector<1x16xf32>,
            %get3A_300 = arith.index_cast %select_n3A : i32 to index
            %get3A_301 = arith.constant 32 : index
            %get3A_302 = tpu.vector_load %arg7[%get3A_300, %get3A_301] {strides = array<i32>} : memref<128x64xf32, #tpu.memory_space<vmem>>, vector<1x16xf32>,
            %get3A_303 = vector.shape_cast %get3A_302 : vector<1x16xf32> to vector<16xf32>
            %get3A_304 = arith.index_cast %add3A_268 : i32 to index
            %get3A_305 = arith.constant 32 : index
            %get3A_306 = tpu.vector_load %arg8[%get3A_304, %get3A_305] {strides = array<i32>} : memref<256x64xf32, #tpu.memory_space<vmem>>, vector<1x16xf32>,
            %get3A_307 = vector.shape_cast %get3A_306 : vector<1x16xf32> to vector<16xf32>
            %mul3A_308 = vector.broadcast %squeeze3A_184 : f32 to vector<16xf32>
            %mul3A_309 = arith.mulf %mul3A_308, %get3A_307 : vector<16xf32>
            %add3A_310 = arith.addf %get3A_303, %mul3A_309 : vector<16xf32>
            %swap3A_311 = arith.index_cast %select_n3A : i32 to index
            %swap3A_312 = arith.constant 32 : index
            %swap3A_313 = tpu.vector_load %arg7[%swap3A_311, %swap3A_312] {strides = array<i32>} : memref<128x64xf32, #tpu.memory_space<vmem>>, vector<1x16xf32>,
            %swap3A_314 = vector.shape_cast %swap3A_313 : vector<1x16xf32> to vector<16xf32>
            %swap3A_315 = vector.shape_cast %add3A_310 : vector<16xf32> to vector<1x16xf32>
            tpu.vector_store %arg7[%swap3A_311, %swap3A_312], %swap3A_315 {strides = array<i32>} : memref<128x64xf32, #tpu.memory_space<vmem>>, vector<1x16xf32>,
            %get3A_316 = arith.index_cast %select_n3A : i32 to index
            %get3A_317 = arith.constant 48 : index
            %get3A_318 = tpu.vector_load %arg7[%get3A_316, %get3A_317] {strides = array<i32>} : memref<128x64xf32, #tpu.memory_space<vmem>>, vector<1x16xf32>,
            %get3A_319 = vector.shape_cast %get3A_318 : vector<1x16xf32> to vector<16xf32>
            %get3A_320 = arith.index_cast %add3A_268 : i32 to index
            %get3A_321 = arith.constant 48 : index
            %get3A_322 = tpu.vector_load %arg8[%get3A_320, %get3A_321] {strides = array<i32>} : memref<256x64xf32, #tpu.memory_space<vmem>>, vector<1x16xf32>,
            %get3A_323 = vector.shape_cast %get3A_322 : vector<1x16xf32> to vector<16xf32>
            %mul3A_324 = vector.broadcast %squeeze3A_184 : f32 to vector<16xf32>
            %mul3A_325 = arith.mulf %mul3A_324, %get3A_323 : vector<16xf32>
            %add3A_326 = arith.addf %get3A_319, %mul3A_325 : vector<16xf32>
            %swap3A_327 = arith.index_cast %select_n3A : i32 to index
            %swap3A_328 = arith.constant 48 : index
            %swap3A_329 = tpu.vector_load %arg7[%swap3A_327, %swap3A_328] {strides = array<i32>} : memref<128x64xf32, #tpu.memory_space<vmem>>, vector<1x16xf32>,
            %swap3A_330 = vector.shape_cast %swap3A_329 : vector<1x16xf32> to vector<16xf32>
            %swap3A_331 = vector.shape_cast %add3A_326 : vector<16xf32> to vector<1x16xf32>
            tpu.vector_store %arg7[%swap3A_327, %swap3A_328], %swap3A_331 {strides = array<i32>} : memref<128x64xf32, #tpu.memory_space<vmem>>, vector<1x16xf32>,
          } else {
          }
          %slice3A_190 = vector.extract_strided_slice %get3A_77 {offsets = [5], sizes = [1], strides = [1]} : vector<16xf32> to vector<1xf32>
          %squeeze3A_191 = vector.extract %slice3A_190[0] : f32 from vector<1xf32>
          %ne3A_192 = arith.constant 0.000000e+00 : f32
          %ne3A_193 = arith.cmpf one, %squeeze3A_191, %ne3A_192 : f32
          %convert_element_type3A_194 = arith.extui %ne3A_193 : i1 to i32
          %cond3A_195 = arith.constant 0 : i32
          %cond3A_196 = arith.cmpi ne, %convert_element_type3A_194, %cond3A_195 : i32
          scf.if %cond3A_196 {
            %add3A_267 = arith.constant 5 : i32
            %add3A_268 = arith.addi %mul3A_73, %add3A_267 : i32
            %get3A_269 = arith.index_cast %select_n3A : i32 to index
            %get3A_270 = arith.constant 0 : index
            %get3A_271 = tpu.vector_load %arg7[%get3A_269, %get3A_270] {strides = array<i32>} : memref<128x64xf32, #tpu.memory_space<vmem>>, vector<1x16xf32>,
            %get3A_272 = vector.shape_cast %get3A_271 : vector<1x16xf32> to vector<16xf32>
            %get3A_273 = arith.index_cast %add3A_268 : i32 to index
            %get3A_274 = arith.constant 0 : index
            %get3A_275 = tpu.vector_load %arg8[%get3A_273, %get3A_274] {strides = array<i32>} : memref<256x64xf32, #tpu.memory_space<vmem>>, vector<1x16xf32>,
            %get3A_276 = vector.shape_cast %get3A_275 : vector<1x16xf32> to vector<16xf32>
            %mul3A_277 = vector.broadcast %squeeze3A_191 : f32 to vector<16xf32>
            %mul3A_278 = arith.mulf %mul3A_277, %get3A_276 : vector<16xf32>
            %add3A_279 = arith.addf %get3A_272, %mul3A_278 : vector<16xf32>
            %swap3A = arith.index_cast %select_n3A : i32 to index
            %swap3A_280 = arith.constant 0 : index
            %swap3A_281 = tpu.vector_load %arg7[%swap3A, %swap3A_280] {strides = array<i32>} : memref<128x64xf32, #tpu.memory_space<vmem>>, vector<1x16xf32>,
            %swap3A_282 = vector.shape_cast %swap3A_281 : vector<1x16xf32> to vector<16xf32>
            %swap3A_283 = vector.shape_cast %add3A_279 : vector<16xf32> to vector<1x16xf32>
            tpu.vector_store %arg7[%swap3A, %swap3A_280], %swap3A_283 {strides = array<i32>} : memref<128x64xf32, #tpu.memory_space<vmem>>, vector<1x16xf32>,
            %get3A_284 = arith.index_cast %select_n3A : i32 to index
            %get3A_285 = arith.constant 16 : index
            %get3A_286 = tpu.vector_load %arg7[%get3A_284, %get3A_285] {strides = array<i32>} : memref<128x64xf32, #tpu.memory_space<vmem>>, vector<1x16xf32>,
            %get3A_287 = vector.shape_cast %get3A_286 : vector<1x16xf32> to vector<16xf32>
            %get3A_288 = arith.index_cast %add3A_268 : i32 to index
            %get3A_289 = arith.constant 16 : index
            %get3A_290 = tpu.vector_load %arg8[%get3A_288, %get3A_289] {strides = array<i32>} : memref<256x64xf32, #tpu.memory_space<vmem>>, vector<1x16xf32>,
            %get3A_291 = vector.shape_cast %get3A_290 : vector<1x16xf32> to vector<16xf32>
            %mul3A_292 = vector.broadcast %squeeze3A_191 : f32 to vector<16xf32>
            %mul3A_293 = arith.mulf %mul3A_292, %get3A_291 : vector<16xf32>
            %add3A_294 = arith.addf %get3A_287, %mul3A_293 : vector<16xf32>
            %swap3A_295 = arith.index_cast %select_n3A : i32 to index
            %swap3A_296 = arith.constant 16 : index
            %swap3A_297 = tpu.vector_load %arg7[%swap3A_295, %swap3A_296] {strides = array<i32>} : memref<128x64xf32, #tpu.memory_space<vmem>>, vector<1x16xf32>,
            %swap3A_298 = vector.shape_cast %swap3A_297 : vector<1x16xf32> to vector<16xf32>
            %swap3A_299 = vector.shape_cast %add3A_294 : vector<16xf32> to vector<1x16xf32>
            tpu.vector_store %arg7[%swap3A_295, %swap3A_296], %swap3A_299 {strides = array<i32>} : memref<128x64xf32, #tpu.memory_space<vmem>>, vector<1x16xf32>,
            %get3A_300 = arith.index_cast %select_n3A : i32 to index
            %get3A_301 = arith.constant 32 : index
            %get3A_302 = tpu.vector_load %arg7[%get3A_300, %get3A_301] {strides = array<i32>} : memref<128x64xf32, #tpu.memory_space<vmem>>, vector<1x16xf32>,
            %get3A_303 = vector.shape_cast %get3A_302 : vector<1x16xf32> to vector<16xf32>
            %get3A_304 = arith.index_cast %add3A_268 : i32 to index
            %get3A_305 = arith.constant 32 : index
            %get3A_306 = tpu.vector_load %arg8[%get3A_304, %get3A_305] {strides = array<i32>} : memref<256x64xf32, #tpu.memory_space<vmem>>, vector<1x16xf32>,
            %get3A_307 = vector.shape_cast %get3A_306 : vector<1x16xf32> to vector<16xf32>
            %mul3A_308 = vector.broadcast %squeeze3A_191 : f32 to vector<16xf32>
            %mul3A_309 = arith.mulf %mul3A_308, %get3A_307 : vector<16xf32>
            %add3A_310 = arith.addf %get3A_303, %mul3A_309 : vector<16xf32>
            %swap3A_311 = arith.index_cast %select_n3A : i32 to index
            %swap3A_312 = arith.constant 32 : index
            %swap3A_313 = tpu.vector_load %arg7[%swap3A_311, %swap3A_312] {strides = array<i32>} : memref<128x64xf32, #tpu.memory_space<vmem>>, vector<1x16xf32>,
            %swap3A_314 = vector.shape_cast %swap3A_313 : vector<1x16xf32> to vector<16xf32>
            %swap3A_315 = vector.shape_cast %add3A_310 : vector<16xf32> to vector<1x16xf32>
            tpu.vector_store %arg7[%swap3A_311, %swap3A_312], %swap3A_315 {strides = array<i32>} : memref<128x64xf32, #tpu.memory_space<vmem>>, vector<1x16xf32>,
            %get3A_316 = arith.index_cast %select_n3A : i32 to index
            %get3A_317 = arith.constant 48 : index
            %get3A_318 = tpu.vector_load %arg7[%get3A_316, %get3A_317] {strides = array<i32>} : memref<128x64xf32, #tpu.memory_space<vmem>>, vector<1x16xf32>,
            %get3A_319 = vector.shape_cast %get3A_318 : vector<1x16xf32> to vector<16xf32>
            %get3A_320 = arith.index_cast %add3A_268 : i32 to index
            %get3A_321 = arith.constant 48 : index
            %get3A_322 = tpu.vector_load %arg8[%get3A_320, %get3A_321] {strides = array<i32>} : memref<256x64xf32, #tpu.memory_space<vmem>>, vector<1x16xf32>,
            %get3A_323 = vector.shape_cast %get3A_322 : vector<1x16xf32> to vector<16xf32>
            %mul3A_324 = vector.broadcast %squeeze3A_191 : f32 to vector<16xf32>
            %mul3A_325 = arith.mulf %mul3A_324, %get3A_323 : vector<16xf32>
            %add3A_326 = arith.addf %get3A_319, %mul3A_325 : vector<16xf32>
            %swap3A_327 = arith.index_cast %select_n3A : i32 to index
            %swap3A_328 = arith.constant 48 : index
            %swap3A_329 = tpu.vector_load %arg7[%swap3A_327, %swap3A_328] {strides = array<i32>} : memref<128x64xf32, #tpu.memory_space<vmem>>, vector<1x16xf32>,
            %swap3A_330 = vector.shape_cast %swap3A_329 : vector<1x16xf32> to vector<16xf32>
            %swap3A_331 = vector.shape_cast %add3A_326 : vector<16xf32> to vector<1x16xf32>
            tpu.vector_store %arg7[%swap3A_327, %swap3A_328], %swap3A_331 {strides = array<i32>} : memref<128x64xf32, #tpu.memory_space<vmem>>, vector<1x16xf32>,
          } else {
          }
          %slice3A_197 = vector.extract_strided_slice %get3A_77 {offsets = [6], sizes = [1], strides = [1]} : vector<16xf32> to vector<1xf32>
          %squeeze3A_198 = vector.extract %slice3A_197[0] : f32 from vector<1xf32>
          %ne3A_199 = arith.constant 0.000000e+00 : f32
          %ne3A_200 = arith.cmpf one, %squeeze3A_198, %ne3A_199 : f32
          %convert_element_type3A_201 = arith.extui %ne3A_200 : i1 to i32
          %cond3A_202 = arith.constant 0 : i32
          %cond3A_203 = arith.cmpi ne, %convert_element_type3A_201, %cond3A_202 : i32
          scf.if %cond3A_203 {
            %add3A_267 = arith.constant 6 : i32
            %add3A_268 = arith.addi %mul3A_73, %add3A_267 : i32
            %get3A_269 = arith.index_cast %select_n3A : i32 to index
            %get3A_270 = arith.constant 0 : index
            %get3A_271 = tpu.vector_load %arg7[%get3A_269, %get3A_270] {strides = array<i32>} : memref<128x64xf32, #tpu.memory_space<vmem>>, vector<1x16xf32>,
            %get3A_272 = vector.shape_cast %get3A_271 : vector<1x16xf32> to vector<16xf32>
            %get3A_273 = arith.index_cast %add3A_268 : i32 to index
            %get3A_274 = arith.constant 0 : index
            %get3A_275 = tpu.vector_load %arg8[%get3A_273, %get3A_274] {strides = array<i32>} : memref<256x64xf32, #tpu.memory_space<vmem>>, vector<1x16xf32>,
            %get3A_276 = vector.shape_cast %get3A_275 : vector<1x16xf32> to vector<16xf32>
            %mul3A_277 = vector.broadcast %squeeze3A_198 : f32 to vector<16xf32>
            %mul3A_278 = arith.mulf %mul3A_277, %get3A_276 : vector<16xf32>
            %add3A_279 = arith.addf %get3A_272, %mul3A_278 : vector<16xf32>
            %swap3A = arith.index_cast %select_n3A : i32 to index
            %swap3A_280 = arith.constant 0 : index
            %swap3A_281 = tpu.vector_load %arg7[%swap3A, %swap3A_280] {strides = array<i32>} : memref<128x64xf32, #tpu.memory_space<vmem>>, vector<1x16xf32>,
            %swap3A_282 = vector.shape_cast %swap3A_281 : vector<1x16xf32> to vector<16xf32>
            %swap3A_283 = vector.shape_cast %add3A_279 : vector<16xf32> to vector<1x16xf32>
            tpu.vector_store %arg7[%swap3A, %swap3A_280], %swap3A_283 {strides = array<i32>} : memref<128x64xf32, #tpu.memory_space<vmem>>, vector<1x16xf32>,
            %get3A_284 = arith.index_cast %select_n3A : i32 to index
            %get3A_285 = arith.constant 16 : index
            %get3A_286 = tpu.vector_load %arg7[%get3A_284, %get3A_285] {strides = array<i32>} : memref<128x64xf32, #tpu.memory_space<vmem>>, vector<1x16xf32>,
            %get3A_287 = vector.shape_cast %get3A_286 : vector<1x16xf32> to vector<16xf32>
            %get3A_288 = arith.index_cast %add3A_268 : i32 to index
            %get3A_289 = arith.constant 16 : index
            %get3A_290 = tpu.vector_load %arg8[%get3A_288, %get3A_289] {strides = array<i32>} : memref<256x64xf32, #tpu.memory_space<vmem>>, vector<1x16xf32>,
            %get3A_291 = vector.shape_cast %get3A_290 : vector<1x16xf32> to vector<16xf32>
            %mul3A_292 = vector.broadcast %squeeze3A_198 : f32 to vector<16xf32>
            %mul3A_293 = arith.mulf %mul3A_292, %get3A_291 : vector<16xf32>
            %add3A_294 = arith.addf %get3A_287, %mul3A_293 : vector<16xf32>
            %swap3A_295 = arith.index_cast %select_n3A : i32 to index
            %swap3A_296 = arith.constant 16 : index
            %swap3A_297 = tpu.vector_load %arg7[%swap3A_295, %swap3A_296] {strides = array<i32>} : memref<128x64xf32, #tpu.memory_space<vmem>>, vector<1x16xf32>,
            %swap3A_298 = vector.shape_cast %swap3A_297 : vector<1x16xf32> to vector<16xf32>
            %swap3A_299 = vector.shape_cast %add3A_294 : vector<16xf32> to vector<1x16xf32>
            tpu.vector_store %arg7[%swap3A_295, %swap3A_296], %swap3A_299 {strides = array<i32>} : memref<128x64xf32, #tpu.memory_space<vmem>>, vector<1x16xf32>,
            %get3A_300 = arith.index_cast %select_n3A : i32 to index
            %get3A_301 = arith.constant 32 : index
            %get3A_302 = tpu.vector_load %arg7[%get3A_300, %get3A_301] {strides = array<i32>} : memref<128x64xf32, #tpu.memory_space<vmem>>, vector<1x16xf32>,
            %get3A_303 = vector.shape_cast %get3A_302 : vector<1x16xf32> to vector<16xf32>
            %get3A_304 = arith.index_cast %add3A_268 : i32 to index
            %get3A_305 = arith.constant 32 : index
            %get3A_306 = tpu.vector_load %arg8[%get3A_304, %get3A_305] {strides = array<i32>} : memref<256x64xf32, #tpu.memory_space<vmem>>, vector<1x16xf32>,
            %get3A_307 = vector.shape_cast %get3A_306 : vector<1x16xf32> to vector<16xf32>
            %mul3A_308 = vector.broadcast %squeeze3A_198 : f32 to vector<16xf32>
            %mul3A_309 = arith.mulf %mul3A_308, %get3A_307 : vector<16xf32>
            %add3A_310 = arith.addf %get3A_303, %mul3A_309 : vector<16xf32>
            %swap3A_311 = arith.index_cast %select_n3A : i32 to index
            %swap3A_312 = arith.constant 32 : index
            %swap3A_313 = tpu.vector_load %arg7[%swap3A_311, %swap3A_312] {strides = array<i32>} : memref<128x64xf32, #tpu.memory_space<vmem>>, vector<1x16xf32>,
            %swap3A_314 = vector.shape_cast %swap3A_313 : vector<1x16xf32> to vector<16xf32>
            %swap3A_315 = vector.shape_cast %add3A_310 : vector<16xf32> to vector<1x16xf32>
            tpu.vector_store %arg7[%swap3A_311, %swap3A_312], %swap3A_315 {strides = array<i32>} : memref<128x64xf32, #tpu.memory_space<vmem>>, vector<1x16xf32>,
            %get3A_316 = arith.index_cast %select_n3A : i32 to index
            %get3A_317 = arith.constant 48 : index
            %get3A_318 = tpu.vector_load %arg7[%get3A_316, %get3A_317] {strides = array<i32>} : memref<128x64xf32, #tpu.memory_space<vmem>>, vector<1x16xf32>,
            %get3A_319 = vector.shape_cast %get3A_318 : vector<1x16xf32> to vector<16xf32>
            %get3A_320 = arith.index_cast %add3A_268 : i32 to index
            %get3A_321 = arith.constant 48 : index
            %get3A_322 = tpu.vector_load %arg8[%get3A_320, %get3A_321] {strides = array<i32>} : memref<256x64xf32, #tpu.memory_space<vmem>>, vector<1x16xf32>,
            %get3A_323 = vector.shape_cast %get3A_322 : vector<1x16xf32> to vector<16xf32>
            %mul3A_324 = vector.broadcast %squeeze3A_198 : f32 to vector<16xf32>
            %mul3A_325 = arith.mulf %mul3A_324, %get3A_323 : vector<16xf32>
            %add3A_326 = arith.addf %get3A_319, %mul3A_325 : vector<16xf32>
            %swap3A_327 = arith.index_cast %select_n3A : i32 to index
            %swap3A_328 = arith.constant 48 : index
            %swap3A_329 = tpu.vector_load %arg7[%swap3A_327, %swap3A_328] {strides = array<i32>} : memref<128x64xf32, #tpu.memory_space<vmem>>, vector<1x16xf32>,
            %swap3A_330 = vector.shape_cast %swap3A_329 : vector<1x16xf32> to vector<16xf32>
            %swap3A_331 = vector.shape_cast %add3A_326 : vector<16xf32> to vector<1x16xf32>
            tpu.vector_store %arg7[%swap3A_327, %swap3A_328], %swap3A_331 {strides = array<i32>} : memref<128x64xf32, #tpu.memory_space<vmem>>, vector<1x16xf32>,
          } else {
          }
          %slice3A_204 = vector.extract_strided_slice %get3A_77 {offsets = [7], sizes = [1], strides = [1]} : vector<16xf32> to vector<1xf32>
          %squeeze3A_205 = vector.extract %slice3A_204[0] : f32 from vector<1xf32>
          %ne3A_206 = arith.constant 0.000000e+00 : f32
          %ne3A_207 = arith.cmpf one, %squeeze3A_205, %ne3A_206 : f32
          %convert_element_type3A_208 = arith.extui %ne3A_207 : i1 to i32
          %cond3A_209 = arith.constant 0 : i32
          %cond3A_210 = arith.cmpi ne, %convert_element_type3A_208, %cond3A_209 : i32
          scf.if %cond3A_210 {
            %add3A_267 = arith.constant 7 : i32
            %add3A_268 = arith.addi %mul3A_73, %add3A_267 : i32
            %get3A_269 = arith.index_cast %select_n3A : i32 to index
            %get3A_270 = arith.constant 0 : index
            %get3A_271 = tpu.vector_load %arg7[%get3A_269, %get3A_270] {strides = array<i32>} : memref<128x64xf32, #tpu.memory_space<vmem>>, vector<1x16xf32>,
            %get3A_272 = vector.shape_cast %get3A_271 : vector<1x16xf32> to vector<16xf32>
            %get3A_273 = arith.index_cast %add3A_268 : i32 to index
            %get3A_274 = arith.constant 0 : index
            %get3A_275 = tpu.vector_load %arg8[%get3A_273, %get3A_274] {strides = array<i32>} : memref<256x64xf32, #tpu.memory_space<vmem>>, vector<1x16xf32>,
            %get3A_276 = vector.shape_cast %get3A_275 : vector<1x16xf32> to vector<16xf32>
            %mul3A_277 = vector.broadcast %squeeze3A_205 : f32 to vector<16xf32>
            %mul3A_278 = arith.mulf %mul3A_277, %get3A_276 : vector<16xf32>
            %add3A_279 = arith.addf %get3A_272, %mul3A_278 : vector<16xf32>
            %swap3A = arith.index_cast %select_n3A : i32 to index
            %swap3A_280 = arith.constant 0 : index
            %swap3A_281 = tpu.vector_load %arg7[%swap3A, %swap3A_280] {strides = array<i32>} : memref<128x64xf32, #tpu.memory_space<vmem>>, vector<1x16xf32>,
            %swap3A_282 = vector.shape_cast %swap3A_281 : vector<1x16xf32> to vector<16xf32>
            %swap3A_283 = vector.shape_cast %add3A_279 : vector<16xf32> to vector<1x16xf32>
            tpu.vector_store %arg7[%swap3A, %swap3A_280], %swap3A_283 {strides = array<i32>} : memref<128x64xf32, #tpu.memory_space<vmem>>, vector<1x16xf32>,
            %get3A_284 = arith.index_cast %select_n3A : i32 to index
            %get3A_285 = arith.constant 16 : index
            %get3A_286 = tpu.vector_load %arg7[%get3A_284, %get3A_285] {strides = array<i32>} : memref<128x64xf32, #tpu.memory_space<vmem>>, vector<1x16xf32>,
            %get3A_287 = vector.shape_cast %get3A_286 : vector<1x16xf32> to vector<16xf32>
            %get3A_288 = arith.index_cast %add3A_268 : i32 to index
            %get3A_289 = arith.constant 16 : index
            %get3A_290 = tpu.vector_load %arg8[%get3A_288, %get3A_289] {strides = array<i32>} : memref<256x64xf32, #tpu.memory_space<vmem>>, vector<1x16xf32>,
            %get3A_291 = vector.shape_cast %get3A_290 : vector<1x16xf32> to vector<16xf32>
            %mul3A_292 = vector.broadcast %squeeze3A_205 : f32 to vector<16xf32>
            %mul3A_293 = arith.mulf %mul3A_292, %get3A_291 : vector<16xf32>
            %add3A_294 = arith.addf %get3A_287, %mul3A_293 : vector<16xf32>
            %swap3A_295 = arith.index_cast %select_n3A : i32 to index
            %swap3A_296 = arith.constant 16 : index
            %swap3A_297 = tpu.vector_load %arg7[%swap3A_295, %swap3A_296] {strides = array<i32>} : memref<128x64xf32, #tpu.memory_space<vmem>>, vector<1x16xf32>,
            %swap3A_298 = vector.shape_cast %swap3A_297 : vector<1x16xf32> to vector<16xf32>
            %swap3A_299 = vector.shape_cast %add3A_294 : vector<16xf32> to vector<1x16xf32>
            tpu.vector_store %arg7[%swap3A_295, %swap3A_296], %swap3A_299 {strides = array<i32>} : memref<128x64xf32, #tpu.memory_space<vmem>>, vector<1x16xf32>,
            %get3A_300 = arith.index_cast %select_n3A : i32 to index
            %get3A_301 = arith.constant 32 : index
            %get3A_302 = tpu.vector_load %arg7[%get3A_300, %get3A_301] {strides = array<i32>} : memref<128x64xf32, #tpu.memory_space<vmem>>, vector<1x16xf32>,
            %get3A_303 = vector.shape_cast %get3A_302 : vector<1x16xf32> to vector<16xf32>
            %get3A_304 = arith.index_cast %add3A_268 : i32 to index
            %get3A_305 = arith.constant 32 : index
            %get3A_306 = tpu.vector_load %arg8[%get3A_304, %get3A_305] {strides = array<i32>} : memref<256x64xf32, #tpu.memory_space<vmem>>, vector<1x16xf32>,
            %get3A_307 = vector.shape_cast %get3A_306 : vector<1x16xf32> to vector<16xf32>
            %mul3A_308 = vector.broadcast %squeeze3A_205 : f32 to vector<16xf32>
            %mul3A_309 = arith.mulf %mul3A_308, %get3A_307 : vector<16xf32>
            %add3A_310 = arith.addf %get3A_303, %mul3A_309 : vector<16xf32>
            %swap3A_311 = arith.index_cast %select_n3A : i32 to index
            %swap3A_312 = arith.constant 32 : index
            %swap3A_313 = tpu.vector_load %arg7[%swap3A_311, %swap3A_312] {strides = array<i32>} : memref<128x64xf32, #tpu.memory_space<vmem>>, vector<1x16xf32>,
            %swap3A_314 = vector.shape_cast %swap3A_313 : vector<1x16xf32> to vector<16xf32>
            %swap3A_315 = vector.shape_cast %add3A_310 : vector<16xf32> to vector<1x16xf32>
            tpu.vector_store %arg7[%swap3A_311, %swap3A_312], %swap3A_315 {strides = array<i32>} : memref<128x64xf32, #tpu.memory_space<vmem>>, vector<1x16xf32>,
            %get3A_316 = arith.index_cast %select_n3A : i32 to index
            %get3A_317 = arith.constant 48 : index
            %get3A_318 = tpu.vector_load %arg7[%get3A_316, %get3A_317] {strides = array<i32>} : memref<128x64xf32, #tpu.memory_space<vmem>>, vector<1x16xf32>,
            %get3A_319 = vector.shape_cast %get3A_318 : vector<1x16xf32> to vector<16xf32>
            %get3A_320 = arith.index_cast %add3A_268 : i32 to index
            %get3A_321 = arith.constant 48 : index
            %get3A_322 = tpu.vector_load %arg8[%get3A_320, %get3A_321] {strides = array<i32>} : memref<256x64xf32, #tpu.memory_space<vmem>>, vector<1x16xf32>,
            %get3A_323 = vector.shape_cast %get3A_322 : vector<1x16xf32> to vector<16xf32>
            %mul3A_324 = vector.broadcast %squeeze3A_205 : f32 to vector<16xf32>
            %mul3A_325 = arith.mulf %mul3A_324, %get3A_323 : vector<16xf32>
            %add3A_326 = arith.addf %get3A_319, %mul3A_325 : vector<16xf32>
            %swap3A_327 = arith.index_cast %select_n3A : i32 to index
            %swap3A_328 = arith.constant 48 : index
            %swap3A_329 = tpu.vector_load %arg7[%swap3A_327, %swap3A_328] {strides = array<i32>} : memref<128x64xf32, #tpu.memory_space<vmem>>, vector<1x16xf32>,
            %swap3A_330 = vector.shape_cast %swap3A_329 : vector<1x16xf32> to vector<16xf32>
            %swap3A_331 = vector.shape_cast %add3A_326 : vector<16xf32> to vector<1x16xf32>
            tpu.vector_store %arg7[%swap3A_327, %swap3A_328], %swap3A_331 {strides = array<i32>} : memref<128x64xf32, #tpu.memory_space<vmem>>, vector<1x16xf32>,
          } else {
          }
          %slice3A_211 = vector.extract_strided_slice %get3A_77 {offsets = [8], sizes = [1], strides = [1]} : vector<16xf32> to vector<1xf32>
          %squeeze3A_212 = vector.extract %slice3A_211[0] : f32 from vector<1xf32>
          %ne3A_213 = arith.constant 0.000000e+00 : f32
          %ne3A_214 = arith.cmpf one, %squeeze3A_212, %ne3A_213 : f32
          %convert_element_type3A_215 = arith.extui %ne3A_214 : i1 to i32
          %cond3A_216 = arith.constant 0 : i32
          %cond3A_217 = arith.cmpi ne, %convert_element_type3A_215, %cond3A_216 : i32
          scf.if %cond3A_217 {
            %add3A_267 = arith.constant 8 : i32
            %add3A_268 = arith.addi %mul3A_73, %add3A_267 : i32
            %get3A_269 = arith.index_cast %select_n3A : i32 to index
            %get3A_270 = arith.constant 0 : index
            %get3A_271 = tpu.vector_load %arg7[%get3A_269, %get3A_270] {strides = array<i32>} : memref<128x64xf32, #tpu.memory_space<vmem>>, vector<1x16xf32>,
            %get3A_272 = vector.shape_cast %get3A_271 : vector<1x16xf32> to vector<16xf32>
            %get3A_273 = arith.index_cast %add3A_268 : i32 to index
            %get3A_274 = arith.constant 0 : index
            %get3A_275 = tpu.vector_load %arg8[%get3A_273, %get3A_274] {strides = array<i32>} : memref<256x64xf32, #tpu.memory_space<vmem>>, vector<1x16xf32>,
            %get3A_276 = vector.shape_cast %get3A_275 : vector<1x16xf32> to vector<16xf32>
            %mul3A_277 = vector.broadcast %squeeze3A_212 : f32 to vector<16xf32>
            %mul3A_278 = arith.mulf %mul3A_277, %get3A_276 : vector<16xf32>
            %add3A_279 = arith.addf %get3A_272, %mul3A_278 : vector<16xf32>
            %swap3A = arith.index_cast %select_n3A : i32 to index
            %swap3A_280 = arith.constant 0 : index
            %swap3A_281 = tpu.vector_load %arg7[%swap3A, %swap3A_280] {strides = array<i32>} : memref<128x64xf32, #tpu.memory_space<vmem>>, vector<1x16xf32>,
            %swap3A_282 = vector.shape_cast %swap3A_281 : vector<1x16xf32> to vector<16xf32>
            %swap3A_283 = vector.shape_cast %add3A_279 : vector<16xf32> to vector<1x16xf32>
            tpu.vector_store %arg7[%swap3A, %swap3A_280], %swap3A_283 {strides = array<i32>} : memref<128x64xf32, #tpu.memory_space<vmem>>, vector<1x16xf32>,
            %get3A_284 = arith.index_cast %select_n3A : i32 to index
            %get3A_285 = arith.constant 16 : index
            %get3A_286 = tpu.vector_load %arg7[%get3A_284, %get3A_285] {strides = array<i32>} : memref<128x64xf32, #tpu.memory_space<vmem>>, vector<1x16xf32>,
            %get3A_287 = vector.shape_cast %get3A_286 : vector<1x16xf32> to vector<16xf32>
            %get3A_288 = arith.index_cast %add3A_268 : i32 to index
            %get3A_289 = arith.constant 16 : index
            %get3A_290 = tpu.vector_load %arg8[%get3A_288, %get3A_289] {strides = array<i32>} : memref<256x64xf32, #tpu.memory_space<vmem>>, vector<1x16xf32>,
            %get3A_291 = vector.shape_cast %get3A_290 : vector<1x16xf32> to vector<16xf32>
            %mul3A_292 = vector.broadcast %squeeze3A_212 : f32 to vector<16xf32>
            %mul3A_293 = arith.mulf %mul3A_292, %get3A_291 : vector<16xf32>
            %add3A_294 = arith.addf %get3A_287, %mul3A_293 : vector<16xf32>
            %swap3A_295 = arith.index_cast %select_n3A : i32 to index
            %swap3A_296 = arith.constant 16 : index
            %swap3A_297 = tpu.vector_load %arg7[%swap3A_295, %swap3A_296] {strides = array<i32>} : memref<128x64xf32, #tpu.memory_space<vmem>>, vector<1x16xf32>,
            %swap3A_298 = vector.shape_cast %swap3A_297 : vector<1x16xf32> to vector<16xf32>
            %swap3A_299 = vector.shape_cast %add3A_294 : vector<16xf32> to vector<1x16xf32>
            tpu.vector_store %arg7[%swap3A_295, %swap3A_296], %swap3A_299 {strides = array<i32>} : memref<128x64xf32, #tpu.memory_space<vmem>>, vector<1x16xf32>,
            %get3A_300 = arith.index_cast %select_n3A : i32 to index
            %get3A_301 = arith.constant 32 : index
            %get3A_302 = tpu.vector_load %arg7[%get3A_300, %get3A_301] {strides = array<i32>} : memref<128x64xf32, #tpu.memory_space<vmem>>, vector<1x16xf32>,
            %get3A_303 = vector.shape_cast %get3A_302 : vector<1x16xf32> to vector<16xf32>
            %get3A_304 = arith.index_cast %add3A_268 : i32 to index
            %get3A_305 = arith.constant 32 : index
            %get3A_306 = tpu.vector_load %arg8[%get3A_304, %get3A_305] {strides = array<i32>} : memref<256x64xf32, #tpu.memory_space<vmem>>, vector<1x16xf32>,
            %get3A_307 = vector.shape_cast %get3A_306 : vector<1x16xf32> to vector<16xf32>
            %mul3A_308 = vector.broadcast %squeeze3A_212 : f32 to vector<16xf32>
            %mul3A_309 = arith.mulf %mul3A_308, %get3A_307 : vector<16xf32>
            %add3A_310 = arith.addf %get3A_303, %mul3A_309 : vector<16xf32>
            %swap3A_311 = arith.index_cast %select_n3A : i32 to index
            %swap3A_312 = arith.constant 32 : index
            %swap3A_313 = tpu.vector_load %arg7[%swap3A_311, %swap3A_312] {strides = array<i32>} : memref<128x64xf32, #tpu.memory_space<vmem>>, vector<1x16xf32>,
            %swap3A_314 = vector.shape_cast %swap3A_313 : vector<1x16xf32> to vector<16xf32>
            %swap3A_315 = vector.shape_cast %add3A_310 : vector<16xf32> to vector<1x16xf32>
            tpu.vector_store %arg7[%swap3A_311, %swap3A_312], %swap3A_315 {strides = array<i32>} : memref<128x64xf32, #tpu.memory_space<vmem>>, vector<1x16xf32>,
            %get3A_316 = arith.index_cast %select_n3A : i32 to index
            %get3A_317 = arith.constant 48 : index
            %get3A_318 = tpu.vector_load %arg7[%get3A_316, %get3A_317] {strides = array<i32>} : memref<128x64xf32, #tpu.memory_space<vmem>>, vector<1x16xf32>,
            %get3A_319 = vector.shape_cast %get3A_318 : vector<1x16xf32> to vector<16xf32>
            %get3A_320 = arith.index_cast %add3A_268 : i32 to index
            %get3A_321 = arith.constant 48 : index
            %get3A_322 = tpu.vector_load %arg8[%get3A_320, %get3A_321] {strides = array<i32>} : memref<256x64xf32, #tpu.memory_space<vmem>>, vector<1x16xf32>,
            %get3A_323 = vector.shape_cast %get3A_322 : vector<1x16xf32> to vector<16xf32>
            %mul3A_324 = vector.broadcast %squeeze3A_212 : f32 to vector<16xf32>
            %mul3A_325 = arith.mulf %mul3A_324, %get3A_323 : vector<16xf32>
            %add3A_326 = arith.addf %get3A_319, %mul3A_325 : vector<16xf32>
            %swap3A_327 = arith.index_cast %select_n3A : i32 to index
            %swap3A_328 = arith.constant 48 : index
            %swap3A_329 = tpu.vector_load %arg7[%swap3A_327, %swap3A_328] {strides = array<i32>} : memref<128x64xf32, #tpu.memory_space<vmem>>, vector<1x16xf32>,
            %swap3A_330 = vector.shape_cast %swap3A_329 : vector<1x16xf32> to vector<16xf32>
            %swap3A_331 = vector.shape_cast %add3A_326 : vector<16xf32> to vector<1x16xf32>
            tpu.vector_store %arg7[%swap3A_327, %swap3A_328], %swap3A_331 {strides = array<i32>} : memref<128x64xf32, #tpu.memory_space<vmem>>, vector<1x16xf32>,
          } else {
          }
          %slice3A_218 = vector.extract_strided_slice %get3A_77 {offsets = [9], sizes = [1], strides = [1]} : vector<16xf32> to vector<1xf32>
          %squeeze3A_219 = vector.extract %slice3A_218[0] : f32 from vector<1xf32>
          %ne3A_220 = arith.constant 0.000000e+00 : f32
          %ne3A_221 = arith.cmpf one, %squeeze3A_219, %ne3A_220 : f32
          %convert_element_type3A_222 = arith.extui %ne3A_221 : i1 to i32
          %cond3A_223 = arith.constant 0 : i32
          %cond3A_224 = arith.cmpi ne, %convert_element_type3A_222, %cond3A_223 : i32
          scf.if %cond3A_224 {
            %add3A_267 = arith.constant 9 : i32
            %add3A_268 = arith.addi %mul3A_73, %add3A_267 : i32
            %get3A_269 = arith.index_cast %select_n3A : i32 to index
            %get3A_270 = arith.constant 0 : index
            %get3A_271 = tpu.vector_load %arg7[%get3A_269, %get3A_270] {strides = array<i32>} : memref<128x64xf32, #tpu.memory_space<vmem>>, vector<1x16xf32>,
            %get3A_272 = vector.shape_cast %get3A_271 : vector<1x16xf32> to vector<16xf32>
            %get3A_273 = arith.index_cast %add3A_268 : i32 to index
            %get3A_274 = arith.constant 0 : index
            %get3A_275 = tpu.vector_load %arg8[%get3A_273, %get3A_274] {strides = array<i32>} : memref<256x64xf32, #tpu.memory_space<vmem>>, vector<1x16xf32>,
            %get3A_276 = vector.shape_cast %get3A_275 : vector<1x16xf32> to vector<16xf32>
            %mul3A_277 = vector.broadcast %squeeze3A_219 : f32 to vector<16xf32>
            %mul3A_278 = arith.mulf %mul3A_277, %get3A_276 : vector<16xf32>
            %add3A_279 = arith.addf %get3A_272, %mul3A_278 : vector<16xf32>
            %swap3A = arith.index_cast %select_n3A : i32 to index
            %swap3A_280 = arith.constant 0 : index
            %swap3A_281 = tpu.vector_load %arg7[%swap3A, %swap3A_280] {strides = array<i32>} : memref<128x64xf32, #tpu.memory_space<vmem>>, vector<1x16xf32>,
            %swap3A_282 = vector.shape_cast %swap3A_281 : vector<1x16xf32> to vector<16xf32>
            %swap3A_283 = vector.shape_cast %add3A_279 : vector<16xf32> to vector<1x16xf32>
            tpu.vector_store %arg7[%swap3A, %swap3A_280], %swap3A_283 {strides = array<i32>} : memref<128x64xf32, #tpu.memory_space<vmem>>, vector<1x16xf32>,
            %get3A_284 = arith.index_cast %select_n3A : i32 to index
            %get3A_285 = arith.constant 16 : index
            %get3A_286 = tpu.vector_load %arg7[%get3A_284, %get3A_285] {strides = array<i32>} : memref<128x64xf32, #tpu.memory_space<vmem>>, vector<1x16xf32>,
            %get3A_287 = vector.shape_cast %get3A_286 : vector<1x16xf32> to vector<16xf32>
            %get3A_288 = arith.index_cast %add3A_268 : i32 to index
            %get3A_289 = arith.constant 16 : index
            %get3A_290 = tpu.vector_load %arg8[%get3A_288, %get3A_289] {strides = array<i32>} : memref<256x64xf32, #tpu.memory_space<vmem>>, vector<1x16xf32>,
            %get3A_291 = vector.shape_cast %get3A_290 : vector<1x16xf32> to vector<16xf32>
            %mul3A_292 = vector.broadcast %squeeze3A_219 : f32 to vector<16xf32>
            %mul3A_293 = arith.mulf %mul3A_292, %get3A_291 : vector<16xf32>
            %add3A_294 = arith.addf %get3A_287, %mul3A_293 : vector<16xf32>
            %swap3A_295 = arith.index_cast %select_n3A : i32 to index
            %swap3A_296 = arith.constant 16 : index
            %swap3A_297 = tpu.vector_load %arg7[%swap3A_295, %swap3A_296] {strides = array<i32>} : memref<128x64xf32, #tpu.memory_space<vmem>>, vector<1x16xf32>,
            %swap3A_298 = vector.shape_cast %swap3A_297 : vector<1x16xf32> to vector<16xf32>
            %swap3A_299 = vector.shape_cast %add3A_294 : vector<16xf32> to vector<1x16xf32>
            tpu.vector_store %arg7[%swap3A_295, %swap3A_296], %swap3A_299 {strides = array<i32>} : memref<128x64xf32, #tpu.memory_space<vmem>>, vector<1x16xf32>,
            %get3A_300 = arith.index_cast %select_n3A : i32 to index
            %get3A_301 = arith.constant 32 : index
            %get3A_302 = tpu.vector_load %arg7[%get3A_300, %get3A_301] {strides = array<i32>} : memref<128x64xf32, #tpu.memory_space<vmem>>, vector<1x16xf32>,
            %get3A_303 = vector.shape_cast %get3A_302 : vector<1x16xf32> to vector<16xf32>
            %get3A_304 = arith.index_cast %add3A_268 : i32 to index
            %get3A_305 = arith.constant 32 : index
            %get3A_306 = tpu.vector_load %arg8[%get3A_304, %get3A_305] {strides = array<i32>} : memref<256x64xf32, #tpu.memory_space<vmem>>, vector<1x16xf32>,
            %get3A_307 = vector.shape_cast %get3A_306 : vector<1x16xf32> to vector<16xf32>
            %mul3A_308 = vector.broadcast %squeeze3A_219 : f32 to vector<16xf32>
            %mul3A_309 = arith.mulf %mul3A_308, %get3A_307 : vector<16xf32>
            %add3A_310 = arith.addf %get3A_303, %mul3A_309 : vector<16xf32>
            %swap3A_311 = arith.index_cast %select_n3A : i32 to index
            %swap3A_312 = arith.constant 32 : index
            %swap3A_313 = tpu.vector_load %arg7[%swap3A_311, %swap3A_312] {strides = array<i32>} : memref<128x64xf32, #tpu.memory_space<vmem>>, vector<1x16xf32>,
            %swap3A_314 = vector.shape_cast %swap3A_313 : vector<1x16xf32> to vector<16xf32>
            %swap3A_315 = vector.shape_cast %add3A_310 : vector<16xf32> to vector<1x16xf32>
            tpu.vector_store %arg7[%swap3A_311, %swap3A_312], %swap3A_315 {strides = array<i32>} : memref<128x64xf32, #tpu.memory_space<vmem>>, vector<1x16xf32>,
            %get3A_316 = arith.index_cast %select_n3A : i32 to index
            %get3A_317 = arith.constant 48 : index
            %get3A_318 = tpu.vector_load %arg7[%get3A_316, %get3A_317] {strides = array<i32>} : memref<128x64xf32, #tpu.memory_space<vmem>>, vector<1x16xf32>,
            %get3A_319 = vector.shape_cast %get3A_318 : vector<1x16xf32> to vector<16xf32>
            %get3A_320 = arith.index_cast %add3A_268 : i32 to index
            %get3A_321 = arith.constant 48 : index
            %get3A_322 = tpu.vector_load %arg8[%get3A_320, %get3A_321] {strides = array<i32>} : memref<256x64xf32, #tpu.memory_space<vmem>>, vector<1x16xf32>,
            %get3A_323 = vector.shape_cast %get3A_322 : vector<1x16xf32> to vector<16xf32>
            %mul3A_324 = vector.broadcast %squeeze3A_219 : f32 to vector<16xf32>
            %mul3A_325 = arith.mulf %mul3A_324, %get3A_323 : vector<16xf32>
            %add3A_326 = arith.addf %get3A_319, %mul3A_325 : vector<16xf32>
            %swap3A_327 = arith.index_cast %select_n3A : i32 to index
            %swap3A_328 = arith.constant 48 : index
            %swap3A_329 = tpu.vector_load %arg7[%swap3A_327, %swap3A_328] {strides = array<i32>} : memref<128x64xf32, #tpu.memory_space<vmem>>, vector<1x16xf32>,
            %swap3A_330 = vector.shape_cast %swap3A_329 : vector<1x16xf32> to vector<16xf32>
            %swap3A_331 = vector.shape_cast %add3A_326 : vector<16xf32> to vector<1x16xf32>
            tpu.vector_store %arg7[%swap3A_327, %swap3A_328], %swap3A_331 {strides = array<i32>} : memref<128x64xf32, #tpu.memory_space<vmem>>, vector<1x16xf32>,
          } else {
          }
          %slice3A_225 = vector.extract_strided_slice %get3A_77 {offsets = [10], sizes = [1], strides = [1]} : vector<16xf32> to vector<1xf32>
          %squeeze3A_226 = vector.extract %slice3A_225[0] : f32 from vector<1xf32>
          %ne3A_227 = arith.constant 0.000000e+00 : f32
          %ne3A_228 = arith.cmpf one, %squeeze3A_226, %ne3A_227 : f32
          %convert_element_type3A_229 = arith.extui %ne3A_228 : i1 to i32
          %cond3A_230 = arith.constant 0 : i32
          %cond3A_231 = arith.cmpi ne, %convert_element_type3A_229, %cond3A_230 : i32
          scf.if %cond3A_231 {
            %add3A_267 = arith.constant 10 : i32
            %add3A_268 = arith.addi %mul3A_73, %add3A_267 : i32
            %get3A_269 = arith.index_cast %select_n3A : i32 to index
            %get3A_270 = arith.constant 0 : index
            %get3A_271 = tpu.vector_load %arg7[%get3A_269, %get3A_270] {strides = array<i32>} : memref<128x64xf32, #tpu.memory_space<vmem>>, vector<1x16xf32>,
            %get3A_272 = vector.shape_cast %get3A_271 : vector<1x16xf32> to vector<16xf32>
            %get3A_273 = arith.index_cast %add3A_268 : i32 to index
            %get3A_274 = arith.constant 0 : index
            %get3A_275 = tpu.vector_load %arg8[%get3A_273, %get3A_274] {strides = array<i32>} : memref<256x64xf32, #tpu.memory_space<vmem>>, vector<1x16xf32>,
            %get3A_276 = vector.shape_cast %get3A_275 : vector<1x16xf32> to vector<16xf32>
            %mul3A_277 = vector.broadcast %squeeze3A_226 : f32 to vector<16xf32>
            %mul3A_278 = arith.mulf %mul3A_277, %get3A_276 : vector<16xf32>
            %add3A_279 = arith.addf %get3A_272, %mul3A_278 : vector<16xf32>
            %swap3A = arith.index_cast %select_n3A : i32 to index
            %swap3A_280 = arith.constant 0 : index
            %swap3A_281 = tpu.vector_load %arg7[%swap3A, %swap3A_280] {strides = array<i32>} : memref<128x64xf32, #tpu.memory_space<vmem>>, vector<1x16xf32>,
            %swap3A_282 = vector.shape_cast %swap3A_281 : vector<1x16xf32> to vector<16xf32>
            %swap3A_283 = vector.shape_cast %add3A_279 : vector<16xf32> to vector<1x16xf32>
            tpu.vector_store %arg7[%swap3A, %swap3A_280], %swap3A_283 {strides = array<i32>} : memref<128x64xf32, #tpu.memory_space<vmem>>, vector<1x16xf32>,
            %get3A_284 = arith.index_cast %select_n3A : i32 to index
            %get3A_285 = arith.constant 16 : index
            %get3A_286 = tpu.vector_load %arg7[%get3A_284, %get3A_285] {strides = array<i32>} : memref<128x64xf32, #tpu.memory_space<vmem>>, vector<1x16xf32>,
            %get3A_287 = vector.shape_cast %get3A_286 : vector<1x16xf32> to vector<16xf32>
            %get3A_288 = arith.index_cast %add3A_268 : i32 to index
            %get3A_289 = arith.constant 16 : index
            %get3A_290 = tpu.vector_load %arg8[%get3A_288, %get3A_289] {strides = array<i32>} : memref<256x64xf32, #tpu.memory_space<vmem>>, vector<1x16xf32>,
            %get3A_291 = vector.shape_cast %get3A_290 : vector<1x16xf32> to vector<16xf32>
            %mul3A_292 = vector.broadcast %squeeze3A_226 : f32 to vector<16xf32>
            %mul3A_293 = arith.mulf %mul3A_292, %get3A_291 : vector<16xf32>
            %add3A_294 = arith.addf %get3A_287, %mul3A_293 : vector<16xf32>
            %swap3A_295 = arith.index_cast %select_n3A : i32 to index
            %swap3A_296 = arith.constant 16 : index
            %swap3A_297 = tpu.vector_load %arg7[%swap3A_295, %swap3A_296] {strides = array<i32>} : memref<128x64xf32, #tpu.memory_space<vmem>>, vector<1x16xf32>,
            %swap3A_298 = vector.shape_cast %swap3A_297 : vector<1x16xf32> to vector<16xf32>
            %swap3A_299 = vector.shape_cast %add3A_294 : vector<16xf32> to vector<1x16xf32>
            tpu.vector_store %arg7[%swap3A_295, %swap3A_296], %swap3A_299 {strides = array<i32>} : memref<128x64xf32, #tpu.memory_space<vmem>>, vector<1x16xf32>,
            %get3A_300 = arith.index_cast %select_n3A : i32 to index
            %get3A_301 = arith.constant 32 : index
            %get3A_302 = tpu.vector_load %arg7[%get3A_300, %get3A_301] {strides = array<i32>} : memref<128x64xf32, #tpu.memory_space<vmem>>, vector<1x16xf32>,
            %get3A_303 = vector.shape_cast %get3A_302 : vector<1x16xf32> to vector<16xf32>
            %get3A_304 = arith.index_cast %add3A_268 : i32 to index
            %get3A_305 = arith.constant 32 : index
            %get3A_306 = tpu.vector_load %arg8[%get3A_304, %get3A_305] {strides = array<i32>} : memref<256x64xf32, #tpu.memory_space<vmem>>, vector<1x16xf32>,
            %get3A_307 = vector.shape_cast %get3A_306 : vector<1x16xf32> to vector<16xf32>
            %mul3A_308 = vector.broadcast %squeeze3A_226 : f32 to vector<16xf32>
            %mul3A_309 = arith.mulf %mul3A_308, %get3A_307 : vector<16xf32>
            %add3A_310 = arith.addf %get3A_303, %mul3A_309 : vector<16xf32>
            %swap3A_311 = arith.index_cast %select_n3A : i32 to index
            %swap3A_312 = arith.constant 32 : index
            %swap3A_313 = tpu.vector_load %arg7[%swap3A_311, %swap3A_312] {strides = array<i32>} : memref<128x64xf32, #tpu.memory_space<vmem>>, vector<1x16xf32>,
            %swap3A_314 = vector.shape_cast %swap3A_313 : vector<1x16xf32> to vector<16xf32>
            %swap3A_315 = vector.shape_cast %add3A_310 : vector<16xf32> to vector<1x16xf32>
            tpu.vector_store %arg7[%swap3A_311, %swap3A_312], %swap3A_315 {strides = array<i32>} : memref<128x64xf32, #tpu.memory_space<vmem>>, vector<1x16xf32>,
            %get3A_316 = arith.index_cast %select_n3A : i32 to index
            %get3A_317 = arith.constant 48 : index
            %get3A_318 = tpu.vector_load %arg7[%get3A_316, %get3A_317] {strides = array<i32>} : memref<128x64xf32, #tpu.memory_space<vmem>>, vector<1x16xf32>,
            %get3A_319 = vector.shape_cast %get3A_318 : vector<1x16xf32> to vector<16xf32>
            %get3A_320 = arith.index_cast %add3A_268 : i32 to index
            %get3A_321 = arith.constant 48 : index
            %get3A_322 = tpu.vector_load %arg8[%get3A_320, %get3A_321] {strides = array<i32>} : memref<256x64xf32, #tpu.memory_space<vmem>>, vector<1x16xf32>,
            %get3A_323 = vector.shape_cast %get3A_322 : vector<1x16xf32> to vector<16xf32>
            %mul3A_324 = vector.broadcast %squeeze3A_226 : f32 to vector<16xf32>
            %mul3A_325 = arith.mulf %mul3A_324, %get3A_323 : vector<16xf32>
            %add3A_326 = arith.addf %get3A_319, %mul3A_325 : vector<16xf32>
            %swap3A_327 = arith.index_cast %select_n3A : i32 to index
            %swap3A_328 = arith.constant 48 : index
            %swap3A_329 = tpu.vector_load %arg7[%swap3A_327, %swap3A_328] {strides = array<i32>} : memref<128x64xf32, #tpu.memory_space<vmem>>, vector<1x16xf32>,
            %swap3A_330 = vector.shape_cast %swap3A_329 : vector<1x16xf32> to vector<16xf32>
            %swap3A_331 = vector.shape_cast %add3A_326 : vector<16xf32> to vector<1x16xf32>
            tpu.vector_store %arg7[%swap3A_327, %swap3A_328], %swap3A_331 {strides = array<i32>} : memref<128x64xf32, #tpu.memory_space<vmem>>, vector<1x16xf32>,
          } else {
          }
          %slice3A_232 = vector.extract_strided_slice %get3A_77 {offsets = [11], sizes = [1], strides = [1]} : vector<16xf32> to vector<1xf32>
          %squeeze3A_233 = vector.extract %slice3A_232[0] : f32 from vector<1xf32>
          %ne3A_234 = arith.constant 0.000000e+00 : f32
          %ne3A_235 = arith.cmpf one, %squeeze3A_233, %ne3A_234 : f32
          %convert_element_type3A_236 = arith.extui %ne3A_235 : i1 to i32
          %cond3A_237 = arith.constant 0 : i32
          %cond3A_238 = arith.cmpi ne, %convert_element_type3A_236, %cond3A_237 : i32
          scf.if %cond3A_238 {
            %add3A_267 = arith.constant 11 : i32
            %add3A_268 = arith.addi %mul3A_73, %add3A_267 : i32
            %get3A_269 = arith.index_cast %select_n3A : i32 to index
            %get3A_270 = arith.constant 0 : index
            %get3A_271 = tpu.vector_load %arg7[%get3A_269, %get3A_270] {strides = array<i32>} : memref<128x64xf32, #tpu.memory_space<vmem>>, vector<1x16xf32>,
            %get3A_272 = vector.shape_cast %get3A_271 : vector<1x16xf32> to vector<16xf32>
            %get3A_273 = arith.index_cast %add3A_268 : i32 to index
            %get3A_274 = arith.constant 0 : index
            %get3A_275 = tpu.vector_load %arg8[%get3A_273, %get3A_274] {strides = array<i32>} : memref<256x64xf32, #tpu.memory_space<vmem>>, vector<1x16xf32>,
            %get3A_276 = vector.shape_cast %get3A_275 : vector<1x16xf32> to vector<16xf32>
            %mul3A_277 = vector.broadcast %squeeze3A_233 : f32 to vector<16xf32>
            %mul3A_278 = arith.mulf %mul3A_277, %get3A_276 : vector<16xf32>
            %add3A_279 = arith.addf %get3A_272, %mul3A_278 : vector<16xf32>
            %swap3A = arith.index_cast %select_n3A : i32 to index
            %swap3A_280 = arith.constant 0 : index
            %swap3A_281 = tpu.vector_load %arg7[%swap3A, %swap3A_280] {strides = array<i32>} : memref<128x64xf32, #tpu.memory_space<vmem>>, vector<1x16xf32>,
            %swap3A_282 = vector.shape_cast %swap3A_281 : vector<1x16xf32> to vector<16xf32>
            %swap3A_283 = vector.shape_cast %add3A_279 : vector<16xf32> to vector<1x16xf32>
            tpu.vector_store %arg7[%swap3A, %swap3A_280], %swap3A_283 {strides = array<i32>} : memref<128x64xf32, #tpu.memory_space<vmem>>, vector<1x16xf32>,
            %get3A_284 = arith.index_cast %select_n3A : i32 to index
            %get3A_285 = arith.constant 16 : index
            %get3A_286 = tpu.vector_load %arg7[%get3A_284, %get3A_285] {strides = array<i32>} : memref<128x64xf32, #tpu.memory_space<vmem>>, vector<1x16xf32>,
            %get3A_287 = vector.shape_cast %get3A_286 : vector<1x16xf32> to vector<16xf32>
            %get3A_288 = arith.index_cast %add3A_268 : i32 to index
            %get3A_289 = arith.constant 16 : index
            %get3A_290 = tpu.vector_load %arg8[%get3A_288, %get3A_289] {strides = array<i32>} : memref<256x64xf32, #tpu.memory_space<vmem>>, vector<1x16xf32>,
            %get3A_291 = vector.shape_cast %get3A_290 : vector<1x16xf32> to vector<16xf32>
            %mul3A_292 = vector.broadcast %squeeze3A_233 : f32 to vector<16xf32>
            %mul3A_293 = arith.mulf %mul3A_292, %get3A_291 : vector<16xf32>
            %add3A_294 = arith.addf %get3A_287, %mul3A_293 : vector<16xf32>
            %swap3A_295 = arith.index_cast %select_n3A : i32 to index
            %swap3A_296 = arith.constant 16 : index
            %swap3A_297 = tpu.vector_load %arg7[%swap3A_295, %swap3A_296] {strides = array<i32>} : memref<128x64xf32, #tpu.memory_space<vmem>>, vector<1x16xf32>,
            %swap3A_298 = vector.shape_cast %swap3A_297 : vector<1x16xf32> to vector<16xf32>
            %swap3A_299 = vector.shape_cast %add3A_294 : vector<16xf32> to vector<1x16xf32>
            tpu.vector_store %arg7[%swap3A_295, %swap3A_296], %swap3A_299 {strides = array<i32>} : memref<128x64xf32, #tpu.memory_space<vmem>>, vector<1x16xf32>,
            %get3A_300 = arith.index_cast %select_n3A : i32 to index
            %get3A_301 = arith.constant 32 : index
            %get3A_302 = tpu.vector_load %arg7[%get3A_300, %get3A_301] {strides = array<i32>} : memref<128x64xf32, #tpu.memory_space<vmem>>, vector<1x16xf32>,
            %get3A_303 = vector.shape_cast %get3A_302 : vector<1x16xf32> to vector<16xf32>
            %get3A_304 = arith.index_cast %add3A_268 : i32 to index
            %get3A_305 = arith.constant 32 : index
            %get3A_306 = tpu.vector_load %arg8[%get3A_304, %get3A_305] {strides = array<i32>} : memref<256x64xf32, #tpu.memory_space<vmem>>, vector<1x16xf32>,
            %get3A_307 = vector.shape_cast %get3A_306 : vector<1x16xf32> to vector<16xf32>
            %mul3A_308 = vector.broadcast %squeeze3A_233 : f32 to vector<16xf32>
            %mul3A_309 = arith.mulf %mul3A_308, %get3A_307 : vector<16xf32>
            %add3A_310 = arith.addf %get3A_303, %mul3A_309 : vector<16xf32>
            %swap3A_311 = arith.index_cast %select_n3A : i32 to index
            %swap3A_312 = arith.constant 32 : index
            %swap3A_313 = tpu.vector_load %arg7[%swap3A_311, %swap3A_312] {strides = array<i32>} : memref<128x64xf32, #tpu.memory_space<vmem>>, vector<1x16xf32>,
            %swap3A_314 = vector.shape_cast %swap3A_313 : vector<1x16xf32> to vector<16xf32>
            %swap3A_315 = vector.shape_cast %add3A_310 : vector<16xf32> to vector<1x16xf32>
            tpu.vector_store %arg7[%swap3A_311, %swap3A_312], %swap3A_315 {strides = array<i32>} : memref<128x64xf32, #tpu.memory_space<vmem>>, vector<1x16xf32>,
            %get3A_316 = arith.index_cast %select_n3A : i32 to index
            %get3A_317 = arith.constant 48 : index
            %get3A_318 = tpu.vector_load %arg7[%get3A_316, %get3A_317] {strides = array<i32>} : memref<128x64xf32, #tpu.memory_space<vmem>>, vector<1x16xf32>,
            %get3A_319 = vector.shape_cast %get3A_318 : vector<1x16xf32> to vector<16xf32>
            %get3A_320 = arith.index_cast %add3A_268 : i32 to index
            %get3A_321 = arith.constant 48 : index
            %get3A_322 = tpu.vector_load %arg8[%get3A_320, %get3A_321] {strides = array<i32>} : memref<256x64xf32, #tpu.memory_space<vmem>>, vector<1x16xf32>,
            %get3A_323 = vector.shape_cast %get3A_322 : vector<1x16xf32> to vector<16xf32>
            %mul3A_324 = vector.broadcast %squeeze3A_233 : f32 to vector<16xf32>
            %mul3A_325 = arith.mulf %mul3A_324, %get3A_323 : vector<16xf32>
            %add3A_326 = arith.addf %get3A_319, %mul3A_325 : vector<16xf32>
            %swap3A_327 = arith.index_cast %select_n3A : i32 to index
            %swap3A_328 = arith.constant 48 : index
            %swap3A_329 = tpu.vector_load %arg7[%swap3A_327, %swap3A_328] {strides = array<i32>} : memref<128x64xf32, #tpu.memory_space<vmem>>, vector<1x16xf32>,
            %swap3A_330 = vector.shape_cast %swap3A_329 : vector<1x16xf32> to vector<16xf32>
            %swap3A_331 = vector.shape_cast %add3A_326 : vector<16xf32> to vector<1x16xf32>
            tpu.vector_store %arg7[%swap3A_327, %swap3A_328], %swap3A_331 {strides = array<i32>} : memref<128x64xf32, #tpu.memory_space<vmem>>, vector<1x16xf32>,
          } else {
          }
          %slice3A_239 = vector.extract_strided_slice %get3A_77 {offsets = [12], sizes = [1], strides = [1]} : vector<16xf32> to vector<1xf32>
          %squeeze3A_240 = vector.extract %slice3A_239[0] : f32 from vector<1xf32>
          %ne3A_241 = arith.constant 0.000000e+00 : f32
          %ne3A_242 = arith.cmpf one, %squeeze3A_240, %ne3A_241 : f32
          %convert_element_type3A_243 = arith.extui %ne3A_242 : i1 to i32
          %cond3A_244 = arith.constant 0 : i32
          %cond3A_245 = arith.cmpi ne, %convert_element_type3A_243, %cond3A_244 : i32
          scf.if %cond3A_245 {
            %add3A_267 = arith.constant 12 : i32
            %add3A_268 = arith.addi %mul3A_73, %add3A_267 : i32
            %get3A_269 = arith.index_cast %select_n3A : i32 to index
            %get3A_270 = arith.constant 0 : index
            %get3A_271 = tpu.vector_load %arg7[%get3A_269, %get3A_270] {strides = array<i32>} : memref<128x64xf32, #tpu.memory_space<vmem>>, vector<1x16xf32>,
            %get3A_272 = vector.shape_cast %get3A_271 : vector<1x16xf32> to vector<16xf32>
            %get3A_273 = arith.index_cast %add3A_268 : i32 to index
            %get3A_274 = arith.constant 0 : index
            %get3A_275 = tpu.vector_load %arg8[%get3A_273, %get3A_274] {strides = array<i32>} : memref<256x64xf32, #tpu.memory_space<vmem>>, vector<1x16xf32>,
            %get3A_276 = vector.shape_cast %get3A_275 : vector<1x16xf32> to vector<16xf32>
            %mul3A_277 = vector.broadcast %squeeze3A_240 : f32 to vector<16xf32>
            %mul3A_278 = arith.mulf %mul3A_277, %get3A_276 : vector<16xf32>
            %add3A_279 = arith.addf %get3A_272, %mul3A_278 : vector<16xf32>
            %swap3A = arith.index_cast %select_n3A : i32 to index
            %swap3A_280 = arith.constant 0 : index
            %swap3A_281 = tpu.vector_load %arg7[%swap3A, %swap3A_280] {strides = array<i32>} : memref<128x64xf32, #tpu.memory_space<vmem>>, vector<1x16xf32>,
            %swap3A_282 = vector.shape_cast %swap3A_281 : vector<1x16xf32> to vector<16xf32>
            %swap3A_283 = vector.shape_cast %add3A_279 : vector<16xf32> to vector<1x16xf32>
            tpu.vector_store %arg7[%swap3A, %swap3A_280], %swap3A_283 {strides = array<i32>} : memref<128x64xf32, #tpu.memory_space<vmem>>, vector<1x16xf32>,
            %get3A_284 = arith.index_cast %select_n3A : i32 to index
            %get3A_285 = arith.constant 16 : index
            %get3A_286 = tpu.vector_load %arg7[%get3A_284, %get3A_285] {strides = array<i32>} : memref<128x64xf32, #tpu.memory_space<vmem>>, vector<1x16xf32>,
            %get3A_287 = vector.shape_cast %get3A_286 : vector<1x16xf32> to vector<16xf32>
            %get3A_288 = arith.index_cast %add3A_268 : i32 to index
            %get3A_289 = arith.constant 16 : index
            %get3A_290 = tpu.vector_load %arg8[%get3A_288, %get3A_289] {strides = array<i32>} : memref<256x64xf32, #tpu.memory_space<vmem>>, vector<1x16xf32>,
            %get3A_291 = vector.shape_cast %get3A_290 : vector<1x16xf32> to vector<16xf32>
            %mul3A_292 = vector.broadcast %squeeze3A_240 : f32 to vector<16xf32>
            %mul3A_293 = arith.mulf %mul3A_292, %get3A_291 : vector<16xf32>
            %add3A_294 = arith.addf %get3A_287, %mul3A_293 : vector<16xf32>
            %swap3A_295 = arith.index_cast %select_n3A : i32 to index
            %swap3A_296 = arith.constant 16 : index
            %swap3A_297 = tpu.vector_load %arg7[%swap3A_295, %swap3A_296] {strides = array<i32>} : memref<128x64xf32, #tpu.memory_space<vmem>>, vector<1x16xf32>,
            %swap3A_298 = vector.shape_cast %swap3A_297 : vector<1x16xf32> to vector<16xf32>
            %swap3A_299 = vector.shape_cast %add3A_294 : vector<16xf32> to vector<1x16xf32>
            tpu.vector_store %arg7[%swap3A_295, %swap3A_296], %swap3A_299 {strides = array<i32>} : memref<128x64xf32, #tpu.memory_space<vmem>>, vector<1x16xf32>,
            %get3A_300 = arith.index_cast %select_n3A : i32 to index
            %get3A_301 = arith.constant 32 : index
            %get3A_302 = tpu.vector_load %arg7[%get3A_300, %get3A_301] {strides = array<i32>} : memref<128x64xf32, #tpu.memory_space<vmem>>, vector<1x16xf32>,
            %get3A_303 = vector.shape_cast %get3A_302 : vector<1x16xf32> to vector<16xf32>
            %get3A_304 = arith.index_cast %add3A_268 : i32 to index
            %get3A_305 = arith.constant 32 : index
            %get3A_306 = tpu.vector_load %arg8[%get3A_304, %get3A_305] {strides = array<i32>} : memref<256x64xf32, #tpu.memory_space<vmem>>, vector<1x16xf32>,
            %get3A_307 = vector.shape_cast %get3A_306 : vector<1x16xf32> to vector<16xf32>
            %mul3A_308 = vector.broadcast %squeeze3A_240 : f32 to vector<16xf32>
            %mul3A_309 = arith.mulf %mul3A_308, %get3A_307 : vector<16xf32>
            %add3A_310 = arith.addf %get3A_303, %mul3A_309 : vector<16xf32>
            %swap3A_311 = arith.index_cast %select_n3A : i32 to index
            %swap3A_312 = arith.constant 32 : index
            %swap3A_313 = tpu.vector_load %arg7[%swap3A_311, %swap3A_312] {strides = array<i32>} : memref<128x64xf32, #tpu.memory_space<vmem>>, vector<1x16xf32>,
            %swap3A_314 = vector.shape_cast %swap3A_313 : vector<1x16xf32> to vector<16xf32>
            %swap3A_315 = vector.shape_cast %add3A_310 : vector<16xf32> to vector<1x16xf32>
            tpu.vector_store %arg7[%swap3A_311, %swap3A_312], %swap3A_315 {strides = array<i32>} : memref<128x64xf32, #tpu.memory_space<vmem>>, vector<1x16xf32>,
            %get3A_316 = arith.index_cast %select_n3A : i32 to index
            %get3A_317 = arith.constant 48 : index
            %get3A_318 = tpu.vector_load %arg7[%get3A_316, %get3A_317] {strides = array<i32>} : memref<128x64xf32, #tpu.memory_space<vmem>>, vector<1x16xf32>,
            %get3A_319 = vector.shape_cast %get3A_318 : vector<1x16xf32> to vector<16xf32>
            %get3A_320 = arith.index_cast %add3A_268 : i32 to index
            %get3A_321 = arith.constant 48 : index
            %get3A_322 = tpu.vector_load %arg8[%get3A_320, %get3A_321] {strides = array<i32>} : memref<256x64xf32, #tpu.memory_space<vmem>>, vector<1x16xf32>,
            %get3A_323 = vector.shape_cast %get3A_322 : vector<1x16xf32> to vector<16xf32>
            %mul3A_324 = vector.broadcast %squeeze3A_240 : f32 to vector<16xf32>
            %mul3A_325 = arith.mulf %mul3A_324, %get3A_323 : vector<16xf32>
            %add3A_326 = arith.addf %get3A_319, %mul3A_325 : vector<16xf32>
            %swap3A_327 = arith.index_cast %select_n3A : i32 to index
            %swap3A_328 = arith.constant 48 : index
            %swap3A_329 = tpu.vector_load %arg7[%swap3A_327, %swap3A_328] {strides = array<i32>} : memref<128x64xf32, #tpu.memory_space<vmem>>, vector<1x16xf32>,
            %swap3A_330 = vector.shape_cast %swap3A_329 : vector<1x16xf32> to vector<16xf32>
            %swap3A_331 = vector.shape_cast %add3A_326 : vector<16xf32> to vector<1x16xf32>
            tpu.vector_store %arg7[%swap3A_327, %swap3A_328], %swap3A_331 {strides = array<i32>} : memref<128x64xf32, #tpu.memory_space<vmem>>, vector<1x16xf32>,
          } else {
          }
          %slice3A_246 = vector.extract_strided_slice %get3A_77 {offsets = [13], sizes = [1], strides = [1]} : vector<16xf32> to vector<1xf32>
          %squeeze3A_247 = vector.extract %slice3A_246[0] : f32 from vector<1xf32>
          %ne3A_248 = arith.constant 0.000000e+00 : f32
          %ne3A_249 = arith.cmpf one, %squeeze3A_247, %ne3A_248 : f32
          %convert_element_type3A_250 = arith.extui %ne3A_249 : i1 to i32
          %cond3A_251 = arith.constant 0 : i32
          %cond3A_252 = arith.cmpi ne, %convert_element_type3A_250, %cond3A_251 : i32
          scf.if %cond3A_252 {
            %add3A_267 = arith.constant 13 : i32
            %add3A_268 = arith.addi %mul3A_73, %add3A_267 : i32
            %get3A_269 = arith.index_cast %select_n3A : i32 to index
            %get3A_270 = arith.constant 0 : index
            %get3A_271 = tpu.vector_load %arg7[%get3A_269, %get3A_270] {strides = array<i32>} : memref<128x64xf32, #tpu.memory_space<vmem>>, vector<1x16xf32>,
            %get3A_272 = vector.shape_cast %get3A_271 : vector<1x16xf32> to vector<16xf32>
            %get3A_273 = arith.index_cast %add3A_268 : i32 to index
            %get3A_274 = arith.constant 0 : index
            %get3A_275 = tpu.vector_load %arg8[%get3A_273, %get3A_274] {strides = array<i32>} : memref<256x64xf32, #tpu.memory_space<vmem>>, vector<1x16xf32>,
            %get3A_276 = vector.shape_cast %get3A_275 : vector<1x16xf32> to vector<16xf32>
            %mul3A_277 = vector.broadcast %squeeze3A_247 : f32 to vector<16xf32>
            %mul3A_278 = arith.mulf %mul3A_277, %get3A_276 : vector<16xf32>
            %add3A_279 = arith.addf %get3A_272, %mul3A_278 : vector<16xf32>
            %swap3A = arith.index_cast %select_n3A : i32 to index
            %swap3A_280 = arith.constant 0 : index
            %swap3A_281 = tpu.vector_load %arg7[%swap3A, %swap3A_280] {strides = array<i32>} : memref<128x64xf32, #tpu.memory_space<vmem>>, vector<1x16xf32>,
            %swap3A_282 = vector.shape_cast %swap3A_281 : vector<1x16xf32> to vector<16xf32>
            %swap3A_283 = vector.shape_cast %add3A_279 : vector<16xf32> to vector<1x16xf32>
            tpu.vector_store %arg7[%swap3A, %swap3A_280], %swap3A_283 {strides = array<i32>} : memref<128x64xf32, #tpu.memory_space<vmem>>, vector<1x16xf32>,
            %get3A_284 = arith.index_cast %select_n3A : i32 to index
            %get3A_285 = arith.constant 16 : index
            %get3A_286 = tpu.vector_load %arg7[%get3A_284, %get3A_285] {strides = array<i32>} : memref<128x64xf32, #tpu.memory_space<vmem>>, vector<1x16xf32>,
            %get3A_287 = vector.shape_cast %get3A_286 : vector<1x16xf32> to vector<16xf32>
            %get3A_288 = arith.index_cast %add3A_268 : i32 to index
            %get3A_289 = arith.constant 16 : index
            %get3A_290 = tpu.vector_load %arg8[%get3A_288, %get3A_289] {strides = array<i32>} : memref<256x64xf32, #tpu.memory_space<vmem>>, vector<1x16xf32>,
            %get3A_291 = vector.shape_cast %get3A_290 : vector<1x16xf32> to vector<16xf32>
            %mul3A_292 = vector.broadcast %squeeze3A_247 : f32 to vector<16xf32>
            %mul3A_293 = arith.mulf %mul3A_292, %get3A_291 : vector<16xf32>
            %add3A_294 = arith.addf %get3A_287, %mul3A_293 : vector<16xf32>
            %swap3A_295 = arith.index_cast %select_n3A : i32 to index
            %swap3A_296 = arith.constant 16 : index
            %swap3A_297 = tpu.vector_load %arg7[%swap3A_295, %swap3A_296] {strides = array<i32>} : memref<128x64xf32, #tpu.memory_space<vmem>>, vector<1x16xf32>,
            %swap3A_298 = vector.shape_cast %swap3A_297 : vector<1x16xf32> to vector<16xf32>
            %swap3A_299 = vector.shape_cast %add3A_294 : vector<16xf32> to vector<1x16xf32>
            tpu.vector_store %arg7[%swap3A_295, %swap3A_296], %swap3A_299 {strides = array<i32>} : memref<128x64xf32, #tpu.memory_space<vmem>>, vector<1x16xf32>,
            %get3A_300 = arith.index_cast %select_n3A : i32 to index
            %get3A_301 = arith.constant 32 : index
            %get3A_302 = tpu.vector_load %arg7[%get3A_300, %get3A_301] {strides = array<i32>} : memref<128x64xf32, #tpu.memory_space<vmem>>, vector<1x16xf32>,
            %get3A_303 = vector.shape_cast %get3A_302 : vector<1x16xf32> to vector<16xf32>
            %get3A_304 = arith.index_cast %add3A_268 : i32 to index
            %get3A_305 = arith.constant 32 : index
            %get3A_306 = tpu.vector_load %arg8[%get3A_304, %get3A_305] {strides = array<i32>} : memref<256x64xf32, #tpu.memory_space<vmem>>, vector<1x16xf32>,
            %get3A_307 = vector.shape_cast %get3A_306 : vector<1x16xf32> to vector<16xf32>
            %mul3A_308 = vector.broadcast %squeeze3A_247 : f32 to vector<16xf32>
            %mul3A_309 = arith.mulf %mul3A_308, %get3A_307 : vector<16xf32>
            %add3A_310 = arith.addf %get3A_303, %mul3A_309 : vector<16xf32>
            %swap3A_311 = arith.index_cast %select_n3A : i32 to index
            %swap3A_312 = arith.constant 32 : index
            %swap3A_313 = tpu.vector_load %arg7[%swap3A_311, %swap3A_312] {strides = array<i32>} : memref<128x64xf32, #tpu.memory_space<vmem>>, vector<1x16xf32>,
            %swap3A_314 = vector.shape_cast %swap3A_313 : vector<1x16xf32> to vector<16xf32>
            %swap3A_315 = vector.shape_cast %add3A_310 : vector<16xf32> to vector<1x16xf32>
            tpu.vector_store %arg7[%swap3A_311, %swap3A_312], %swap3A_315 {strides = array<i32>} : memref<128x64xf32, #tpu.memory_space<vmem>>, vector<1x16xf32>,
            %get3A_316 = arith.index_cast %select_n3A : i32 to index
            %get3A_317 = arith.constant 48 : index
            %get3A_318 = tpu.vector_load %arg7[%get3A_316, %get3A_317] {strides = array<i32>} : memref<128x64xf32, #tpu.memory_space<vmem>>, vector<1x16xf32>,
            %get3A_319 = vector.shape_cast %get3A_318 : vector<1x16xf32> to vector<16xf32>
            %get3A_320 = arith.index_cast %add3A_268 : i32 to index
            %get3A_321 = arith.constant 48 : index
            %get3A_322 = tpu.vector_load %arg8[%get3A_320, %get3A_321] {strides = array<i32>} : memref<256x64xf32, #tpu.memory_space<vmem>>, vector<1x16xf32>,
            %get3A_323 = vector.shape_cast %get3A_322 : vector<1x16xf32> to vector<16xf32>
            %mul3A_324 = vector.broadcast %squeeze3A_247 : f32 to vector<16xf32>
            %mul3A_325 = arith.mulf %mul3A_324, %get3A_323 : vector<16xf32>
            %add3A_326 = arith.addf %get3A_319, %mul3A_325 : vector<16xf32>
            %swap3A_327 = arith.index_cast %select_n3A : i32 to index
            %swap3A_328 = arith.constant 48 : index
            %swap3A_329 = tpu.vector_load %arg7[%swap3A_327, %swap3A_328] {strides = array<i32>} : memref<128x64xf32, #tpu.memory_space<vmem>>, vector<1x16xf32>,
            %swap3A_330 = vector.shape_cast %swap3A_329 : vector<1x16xf32> to vector<16xf32>
            %swap3A_331 = vector.shape_cast %add3A_326 : vector<16xf32> to vector<1x16xf32>
            tpu.vector_store %arg7[%swap3A_327, %swap3A_328], %swap3A_331 {strides = array<i32>} : memref<128x64xf32, #tpu.memory_space<vmem>>, vector<1x16xf32>,
          } else {
          }
          %slice3A_253 = vector.extract_strided_slice %get3A_77 {offsets = [14], sizes = [1], strides = [1]} : vector<16xf32> to vector<1xf32>
          %squeeze3A_254 = vector.extract %slice3A_253[0] : f32 from vector<1xf32>
          %ne3A_255 = arith.constant 0.000000e+00 : f32
          %ne3A_256 = arith.cmpf one, %squeeze3A_254, %ne3A_255 : f32
          %convert_element_type3A_257 = arith.extui %ne3A_256 : i1 to i32
          %cond3A_258 = arith.constant 0 : i32
          %cond3A_259 = arith.cmpi ne, %convert_element_type3A_257, %cond3A_258 : i32
          scf.if %cond3A_259 {
            %add3A_267 = arith.constant 14 : i32
            %add3A_268 = arith.addi %mul3A_73, %add3A_267 : i32
            %get3A_269 = arith.index_cast %select_n3A : i32 to index
            %get3A_270 = arith.constant 0 : index
            %get3A_271 = tpu.vector_load %arg7[%get3A_269, %get3A_270] {strides = array<i32>} : memref<128x64xf32, #tpu.memory_space<vmem>>, vector<1x16xf32>,
            %get3A_272 = vector.shape_cast %get3A_271 : vector<1x16xf32> to vector<16xf32>
            %get3A_273 = arith.index_cast %add3A_268 : i32 to index
            %get3A_274 = arith.constant 0 : index
            %get3A_275 = tpu.vector_load %arg8[%get3A_273, %get3A_274] {strides = array<i32>} : memref<256x64xf32, #tpu.memory_space<vmem>>, vector<1x16xf32>,
            %get3A_276 = vector.shape_cast %get3A_275 : vector<1x16xf32> to vector<16xf32>
            %mul3A_277 = vector.broadcast %squeeze3A_254 : f32 to vector<16xf32>
            %mul3A_278 = arith.mulf %mul3A_277, %get3A_276 : vector<16xf32>
            %add3A_279 = arith.addf %get3A_272, %mul3A_278 : vector<16xf32>
            %swap3A = arith.index_cast %select_n3A : i32 to index
            %swap3A_280 = arith.constant 0 : index
            %swap3A_281 = tpu.vector_load %arg7[%swap3A, %swap3A_280] {strides = array<i32>} : memref<128x64xf32, #tpu.memory_space<vmem>>, vector<1x16xf32>,
            %swap3A_282 = vector.shape_cast %swap3A_281 : vector<1x16xf32> to vector<16xf32>
            %swap3A_283 = vector.shape_cast %add3A_279 : vector<16xf32> to vector<1x16xf32>
            tpu.vector_store %arg7[%swap3A, %swap3A_280], %swap3A_283 {strides = array<i32>} : memref<128x64xf32, #tpu.memory_space<vmem>>, vector<1x16xf32>,
            %get3A_284 = arith.index_cast %select_n3A : i32 to index
            %get3A_285 = arith.constant 16 : index
            %get3A_286 = tpu.vector_load %arg7[%get3A_284, %get3A_285] {strides = array<i32>} : memref<128x64xf32, #tpu.memory_space<vmem>>, vector<1x16xf32>,
            %get3A_287 = vector.shape_cast %get3A_286 : vector<1x16xf32> to vector<16xf32>
            %get3A_288 = arith.index_cast %add3A_268 : i32 to index
            %get3A_289 = arith.constant 16 : index
            %get3A_290 = tpu.vector_load %arg8[%get3A_288, %get3A_289] {strides = array<i32>} : memref<256x64xf32, #tpu.memory_space<vmem>>, vector<1x16xf32>,
            %get3A_291 = vector.shape_cast %get3A_290 : vector<1x16xf32> to vector<16xf32>
            %mul3A_292 = vector.broadcast %squeeze3A_254 : f32 to vector<16xf32>
            %mul3A_293 = arith.mulf %mul3A_292, %get3A_291 : vector<16xf32>
            %add3A_294 = arith.addf %get3A_287, %mul3A_293 : vector<16xf32>
            %swap3A_295 = arith.index_cast %select_n3A : i32 to index
            %swap3A_296 = arith.constant 16 : index
            %swap3A_297 = tpu.vector_load %arg7[%swap3A_295, %swap3A_296] {strides = array<i32>} : memref<128x64xf32, #tpu.memory_space<vmem>>, vector<1x16xf32>,
            %swap3A_298 = vector.shape_cast %swap3A_297 : vector<1x16xf32> to vector<16xf32>
            %swap3A_299 = vector.shape_cast %add3A_294 : vector<16xf32> to vector<1x16xf32>
            tpu.vector_store %arg7[%swap3A_295, %swap3A_296], %swap3A_299 {strides = array<i32>} : memref<128x64xf32, #tpu.memory_space<vmem>>, vector<1x16xf32>,
            %get3A_300 = arith.index_cast %select_n3A : i32 to index
            %get3A_301 = arith.constant 32 : index
            %get3A_302 = tpu.vector_load %arg7[%get3A_300, %get3A_301] {strides = array<i32>} : memref<128x64xf32, #tpu.memory_space<vmem>>, vector<1x16xf32>,
            %get3A_303 = vector.shape_cast %get3A_302 : vector<1x16xf32> to vector<16xf32>
            %get3A_304 = arith.index_cast %add3A_268 : i32 to index
            %get3A_305 = arith.constant 32 : index
            %get3A_306 = tpu.vector_load %arg8[%get3A_304, %get3A_305] {strides = array<i32>} : memref<256x64xf32, #tpu.memory_space<vmem>>, vector<1x16xf32>,
            %get3A_307 = vector.shape_cast %get3A_306 : vector<1x16xf32> to vector<16xf32>
            %mul3A_308 = vector.broadcast %squeeze3A_254 : f32 to vector<16xf32>
            %mul3A_309 = arith.mulf %mul3A_308, %get3A_307 : vector<16xf32>
            %add3A_310 = arith.addf %get3A_303, %mul3A_309 : vector<16xf32>
            %swap3A_311 = arith.index_cast %select_n3A : i32 to index
            %swap3A_312 = arith.constant 32 : index
            %swap3A_313 = tpu.vector_load %arg7[%swap3A_311, %swap3A_312] {strides = array<i32>} : memref<128x64xf32, #tpu.memory_space<vmem>>, vector<1x16xf32>,
            %swap3A_314 = vector.shape_cast %swap3A_313 : vector<1x16xf32> to vector<16xf32>
            %swap3A_315 = vector.shape_cast %add3A_310 : vector<16xf32> to vector<1x16xf32>
            tpu.vector_store %arg7[%swap3A_311, %swap3A_312], %swap3A_315 {strides = array<i32>} : memref<128x64xf32, #tpu.memory_space<vmem>>, vector<1x16xf32>,
            %get3A_316 = arith.index_cast %select_n3A : i32 to index
            %get3A_317 = arith.constant 48 : index
            %get3A_318 = tpu.vector_load %arg7[%get3A_316, %get3A_317] {strides = array<i32>} : memref<128x64xf32, #tpu.memory_space<vmem>>, vector<1x16xf32>,
            %get3A_319 = vector.shape_cast %get3A_318 : vector<1x16xf32> to vector<16xf32>
            %get3A_320 = arith.index_cast %add3A_268 : i32 to index
            %get3A_321 = arith.constant 48 : index
            %get3A_322 = tpu.vector_load %arg8[%get3A_320, %get3A_321] {strides = array<i32>} : memref<256x64xf32, #tpu.memory_space<vmem>>, vector<1x16xf32>,
            %get3A_323 = vector.shape_cast %get3A_322 : vector<1x16xf32> to vector<16xf32>
            %mul3A_324 = vector.broadcast %squeeze3A_254 : f32 to vector<16xf32>
            %mul3A_325 = arith.mulf %mul3A_324, %get3A_323 : vector<16xf32>
            %add3A_326 = arith.addf %get3A_319, %mul3A_325 : vector<16xf32>
            %swap3A_327 = arith.index_cast %select_n3A : i32 to index
            %swap3A_328 = arith.constant 48 : index
            %swap3A_329 = tpu.vector_load %arg7[%swap3A_327, %swap3A_328] {strides = array<i32>} : memref<128x64xf32, #tpu.memory_space<vmem>>, vector<1x16xf32>,
            %swap3A_330 = vector.shape_cast %swap3A_329 : vector<1x16xf32> to vector<16xf32>
            %swap3A_331 = vector.shape_cast %add3A_326 : vector<16xf32> to vector<1x16xf32>
            tpu.vector_store %arg7[%swap3A_327, %swap3A_328], %swap3A_331 {strides = array<i32>} : memref<128x64xf32, #tpu.memory_space<vmem>>, vector<1x16xf32>,
          } else {
          }
          %slice3A_260 = vector.extract_strided_slice %get3A_77 {offsets = [15], sizes = [1], strides = [1]} : vector<16xf32> to vector<1xf32>
          %squeeze3A_261 = vector.extract %slice3A_260[0] : f32 from vector<1xf32>
          %ne3A_262 = arith.constant 0.000000e+00 : f32
          %ne3A_263 = arith.cmpf one, %squeeze3A_261, %ne3A_262 : f32
          %convert_element_type3A_264 = arith.extui %ne3A_263 : i1 to i32
          %cond3A_265 = arith.constant 0 : i32
          %cond3A_266 = arith.cmpi ne, %convert_element_type3A_264, %cond3A_265 : i32
          scf.if %cond3A_266 {
            %add3A_267 = arith.constant 15 : i32
            %add3A_268 = arith.addi %mul3A_73, %add3A_267 : i32
            %get3A_269 = arith.index_cast %select_n3A : i32 to index
            %get3A_270 = arith.constant 0 : index
            %get3A_271 = tpu.vector_load %arg7[%get3A_269, %get3A_270] {strides = array<i32>} : memref<128x64xf32, #tpu.memory_space<vmem>>, vector<1x16xf32>,
            %get3A_272 = vector.shape_cast %get3A_271 : vector<1x16xf32> to vector<16xf32>
            %get3A_273 = arith.index_cast %add3A_268 : i32 to index
            %get3A_274 = arith.constant 0 : index
            %get3A_275 = tpu.vector_load %arg8[%get3A_273, %get3A_274] {strides = array<i32>} : memref<256x64xf32, #tpu.memory_space<vmem>>, vector<1x16xf32>,
            %get3A_276 = vector.shape_cast %get3A_275 : vector<1x16xf32> to vector<16xf32>
            %mul3A_277 = vector.broadcast %squeeze3A_261 : f32 to vector<16xf32>
            %mul3A_278 = arith.mulf %mul3A_277, %get3A_276 : vector<16xf32>
            %add3A_279 = arith.addf %get3A_272, %mul3A_278 : vector<16xf32>
            %swap3A = arith.index_cast %select_n3A : i32 to index
            %swap3A_280 = arith.constant 0 : index
            %swap3A_281 = tpu.vector_load %arg7[%swap3A, %swap3A_280] {strides = array<i32>} : memref<128x64xf32, #tpu.memory_space<vmem>>, vector<1x16xf32>,
            %swap3A_282 = vector.shape_cast %swap3A_281 : vector<1x16xf32> to vector<16xf32>
            %swap3A_283 = vector.shape_cast %add3A_279 : vector<16xf32> to vector<1x16xf32>
            tpu.vector_store %arg7[%swap3A, %swap3A_280], %swap3A_283 {strides = array<i32>} : memref<128x64xf32, #tpu.memory_space<vmem>>, vector<1x16xf32>,
            %get3A_284 = arith.index_cast %select_n3A : i32 to index
            %get3A_285 = arith.constant 16 : index
            %get3A_286 = tpu.vector_load %arg7[%get3A_284, %get3A_285] {strides = array<i32>} : memref<128x64xf32, #tpu.memory_space<vmem>>, vector<1x16xf32>,
            %get3A_287 = vector.shape_cast %get3A_286 : vector<1x16xf32> to vector<16xf32>
            %get3A_288 = arith.index_cast %add3A_268 : i32 to index
            %get3A_289 = arith.constant 16 : index
            %get3A_290 = tpu.vector_load %arg8[%get3A_288, %get3A_289] {strides = array<i32>} : memref<256x64xf32, #tpu.memory_space<vmem>>, vector<1x16xf32>,
            %get3A_291 = vector.shape_cast %get3A_290 : vector<1x16xf32> to vector<16xf32>
            %mul3A_292 = vector.broadcast %squeeze3A_261 : f32 to vector<16xf32>
            %mul3A_293 = arith.mulf %mul3A_292, %get3A_291 : vector<16xf32>
            %add3A_294 = arith.addf %get3A_287, %mul3A_293 : vector<16xf32>
            %swap3A_295 = arith.index_cast %select_n3A : i32 to index
            %swap3A_296 = arith.constant 16 : index
            %swap3A_297 = tpu.vector_load %arg7[%swap3A_295, %swap3A_296] {strides = array<i32>} : memref<128x64xf32, #tpu.memory_space<vmem>>, vector<1x16xf32>,
            %swap3A_298 = vector.shape_cast %swap3A_297 : vector<1x16xf32> to vector<16xf32>
            %swap3A_299 = vector.shape_cast %add3A_294 : vector<16xf32> to vector<1x16xf32>
            tpu.vector_store %arg7[%swap3A_295, %swap3A_296], %swap3A_299 {strides = array<i32>} : memref<128x64xf32, #tpu.memory_space<vmem>>, vector<1x16xf32>,
            %get3A_300 = arith.index_cast %select_n3A : i32 to index
            %get3A_301 = arith.constant 32 : index
            %get3A_302 = tpu.vector_load %arg7[%get3A_300, %get3A_301] {strides = array<i32>} : memref<128x64xf32, #tpu.memory_space<vmem>>, vector<1x16xf32>,
            %get3A_303 = vector.shape_cast %get3A_302 : vector<1x16xf32> to vector<16xf32>
            %get3A_304 = arith.index_cast %add3A_268 : i32 to index
            %get3A_305 = arith.constant 32 : index
            %get3A_306 = tpu.vector_load %arg8[%get3A_304, %get3A_305] {strides = array<i32>} : memref<256x64xf32, #tpu.memory_space<vmem>>, vector<1x16xf32>,
            %get3A_307 = vector.shape_cast %get3A_306 : vector<1x16xf32> to vector<16xf32>
            %mul3A_308 = vector.broadcast %squeeze3A_261 : f32 to vector<16xf32>
            %mul3A_309 = arith.mulf %mul3A_308, %get3A_307 : vector<16xf32>
            %add3A_310 = arith.addf %get3A_303, %mul3A_309 : vector<16xf32>
            %swap3A_311 = arith.index_cast %select_n3A : i32 to index
            %swap3A_312 = arith.constant 32 : index
            %swap3A_313 = tpu.vector_load %arg7[%swap3A_311, %swap3A_312] {strides = array<i32>} : memref<128x64xf32, #tpu.memory_space<vmem>>, vector<1x16xf32>,
            %swap3A_314 = vector.shape_cast %swap3A_313 : vector<1x16xf32> to vector<16xf32>
            %swap3A_315 = vector.shape_cast %add3A_310 : vector<16xf32> to vector<1x16xf32>
            tpu.vector_store %arg7[%swap3A_311, %swap3A_312], %swap3A_315 {strides = array<i32>} : memref<128x64xf32, #tpu.memory_space<vmem>>, vector<1x16xf32>,
            %get3A_316 = arith.index_cast %select_n3A : i32 to index
            %get3A_317 = arith.constant 48 : index
            %get3A_318 = tpu.vector_load %arg7[%get3A_316, %get3A_317] {strides = array<i32>} : memref<128x64xf32, #tpu.memory_space<vmem>>, vector<1x16xf32>,
            %get3A_319 = vector.shape_cast %get3A_318 : vector<1x16xf32> to vector<16xf32>
            %get3A_320 = arith.index_cast %add3A_268 : i32 to index
            %get3A_321 = arith.constant 48 : index
            %get3A_322 = tpu.vector_load %arg8[%get3A_320, %get3A_321] {strides = array<i32>} : memref<256x64xf32, #tpu.memory_space<vmem>>, vector<1x16xf32>,
            %get3A_323 = vector.shape_cast %get3A_322 : vector<1x16xf32> to vector<16xf32>
            %mul3A_324 = vector.broadcast %squeeze3A_261 : f32 to vector<16xf32>
            %mul3A_325 = arith.mulf %mul3A_324, %get3A_323 : vector<16xf32>
            %add3A_326 = arith.addf %get3A_319, %mul3A_325 : vector<16xf32>
            %swap3A_327 = arith.index_cast %select_n3A : i32 to index
            %swap3A_328 = arith.constant 48 : index
            %swap3A_329 = tpu.vector_load %arg7[%swap3A_327, %swap3A_328] {strides = array<i32>} : memref<128x64xf32, #tpu.memory_space<vmem>>, vector<1x16xf32>,
            %swap3A_330 = vector.shape_cast %swap3A_329 : vector<1x16xf32> to vector<16xf32>
            %swap3A_331 = vector.shape_cast %add3A_326 : vector<16xf32> to vector<1x16xf32>
            tpu.vector_store %arg7[%swap3A_327, %swap3A_328], %swap3A_331 {strides = array<i32>} : memref<128x64xf32, #tpu.memory_space<vmem>>, vector<1x16xf32>,
          } else {
          }
        } else {
        }
        %scan3A_154 = arith.constant 0 : i32
        scf.yield %scan3A_154 : i32
      }
      %scan3A_38 = arith.constant 2048 : i32
      "tpu.region"() ({
        %run_scoped3A = tpu.sem_alloc : memref<!tpu.dma_semaphore, #tpu.memory_space<semaphore_mem>>
        %dma_start3A = arith.constant 0 : i32
        %dma_start3A_40 = tpu.memref_slice %arg5[%add3A_24, %dma_start3A] : memref<65536x64xf32, #tpu.memory_space<hbm>> -> memref<128x64xf32, #tpu.memory_space<hbm>>
        %dma_start3A_41 = arith.constant 0 : i32
        %dma_start3A_42 = tpu.memref_slice %arg5[%add3A_24, %dma_start3A_41] : memref<65536x64xf32, #tpu.memory_space<hbm>> -> memref<128x64xf32, #tpu.memory_space<hbm>>
        tpu.enqueue_dma source(%arg7 : memref<128x64xf32, #tpu.memory_space<vmem>>) target(%dma_start3A_42 : memref<128x64xf32, #tpu.memory_space<hbm>>) target_semaphore(%run_scoped3A : memref<!tpu.dma_semaphore, #tpu.memory_space<semaphore_mem>>)
        %dma_wait3A = arith.constant 0 : i32
        %dma_wait3A_43 = tpu.memref_slice %arg5[%add3A_24, %dma_wait3A] : memref<65536x64xf32, #tpu.memory_space<hbm>> -> memref<128x64xf32, #tpu.memory_space<hbm>>
        %dma_wait3A_44 = arith.constant 0 : i32
        %dma_wait3A_45 = tpu.memref_slice %arg5[%add3A_24, %dma_wait3A_44] : memref<65536x64xf32, #tpu.memory_space<hbm>> -> memref<128x64xf32, #tpu.memory_space<hbm>>
        tpu.wait_dma2 semaphore(%run_scoped3A : memref<!tpu.dma_semaphore, #tpu.memory_space<semaphore_mem>>) src(%arg7 : memref<128x64xf32, #tpu.memory_space<vmem>>) dst(%dma_wait3A_45 : memref<128x64xf32, #tpu.memory_space<hbm>>)
        tpu.yield
      }) : () -> ()
      %scan3A_39 = arith.constant 0 : i32
      scf.yield %scan3A_39 : i32
    }
    %scan3A_17 = arith.constant 16 : i32
    return
  }
}

</mosaic_0001>

<sc_bundles>
// kernel: _sc_linear.3.cloned.1.call-start
scs
__scs_entry_jumppad:
0x0: {  	(pc) =	sbr.rel $0x88, $3  }
0x1: {  	(tag) =	ssettag $0x0;
	lr =	simm.s32 $0x1  }
0x2: {  	[smem:$0x3F9E] =	sst lr;
	_ =	strace $0xD0000000  }
0x3: {  	_ = 	snop  }
0x4: {  	_ = 	snop  }
0x5: {  	_ = 	snop  }
0x6: {  	_ = 	snop  }
0x7: {  	_ = 	snop  }
__scs_overlays_trampoline_lowered:
0x8: {  	[smem:$0x3FAD] =	sst s0  }
0x9: {  	[smem:$0x3FAE] =	sst s1  }
0xa: {  	[smem:$0x3FAF] =	sst s2  }
0xb: {  	[smem:$0x3FB0] =	sst s3  }
0xc: {  	[smem:$0x3FB1] =	sst s4  }
0xd: {  	[smem:$0x3FB2] =	sst s5  }
0xe: {  	[smem:$0x3FB3] =	sst s6  }
0xf: {  	[smem:$0x3FB4] =	sst s7  }
0x10: {  	[smem:$0x3FB5] =	sst s8  }
0x11: {  	[smem:$0x3FB6] =	sst s9;
	s0 =	simm.s32 @!p0 $0x0  }
0x12: {  	s1 =	sld [smem:$0x3F9C];
	s0 =	simm.s32 @p0 $0x1  }
0x13: {  	[smem:$0x3FB7] =	sst s0;
	s0 =	simm.s32 @!p1 $0x0  }
0x14: {  	s2 =	sld [smem:$0x3F9B];
	s0 =	simm.s32 @p1 $0x1  }
0x15: {  	[smem:$0x3FB8] =	sst s0;
	s0 =	simm.s32 @!p2 $0x0  }
0x16: {  	s3 =	sld [smem:$0x3FDB];
	s0 =	simm.s32 @p2 $0x1  }
0x17: {  	s4 =	simm.s32 $0x1BF5;
	[smem:$0x3FBA] =	sst s0  }
0x18: {  	s0 =	sld [smem:$0x3F9D];
	_ =	swait.ge [sflag:s4], $0x0  }
0x19: {  	s7 =	sld [smem:$0x3F9E]  }
0x1a: {  	s8 =	sadd.s32 $0xFFFFE003, lr  }
0x1b: {  	s9 =	sadd.s32 $0xFFFFFEF7, lr;
	s5 =	simm.s32 $0xFFFFFFFF;
	p2 =	slt.u32 s8, $0xFFFFF086  }
0x1c: {  	p1 =	slt.u32 s9, $0xF7A;
	s5 =	simm.s32 @!p2 $0x0  }
0x1d: {  	s5 =	simm.s32 @p1 $0x1;
	p0 =	seq.s32 s7, s2  }
0x1e: {  	s7 =	smul.u32 @!p0 $0xF7A, s2;
	p2 =	seq.s32 @!p0 s5, $0x0  }
0x1f: {  	s9 =	smul.u32 $0xF7A, s1;
	s8 =	simm.s32 @!p0 $0x1BF5;
	p2 =	por !p2, p0  }
0x20: {  	[sflag:s8] =	ssyncset.s32 @!p0 $0xFFFFF086;
	s6 =	sadd.s32 @!p0 s3, s7;
	s7 =	simm.s32 @!p0 $0x108  }
0x21: {  	s3 =	sadd.s32 s3, s9;
	s6 =	sadd.s32 @!p0 $0x88, s6;
	s7 =	simm.s32 @p2 $0x1082  }
0x22: {  	[simem:s7], [sflag:s8] =	dma.local @!p0 [hbm:s6], $0xF7A  }
0x23: {  	s9 =	sor.u32 $0xD0000000, s2;
	s6 =	simm.s32 $0x108;
	_ =	swait.ge @!p0 [sflag:s8], $0x0  }
0x24: {  	s3 =	sadd.s32 $0x88, s3;
	s6 =	simm.s32 @!p1 $0x1082;
	[sflag:s4] =	ssyncset.s32 $0xFFFFF086  }
0x25: {  	[simem:s6], [sflag:s4] =	dma.local [hbm:s3], $0xF7A  }
0x26: {  	[smem:$0x3F9E] =	sst s1;
	(tag) =	ssettag s2;
	_ =	strace s9  }
0x27: {  	s1 =	sld [smem:$0x3FAE]  }
0x28: {  	s2 =	sld [smem:$0x3FAF]  }
0x29: {  	s4 =	sld [smem:$0x3FB1]  }
0x2a: {  	p0 =	seq.s32 s5, $0x0;
	s5 =	sld [smem:$0x3FB2]  }
0x2b: {  	s6 =	sld [smem:$0x3FB3]  }
0x2c: {  	s7 =	sld [smem:$0x3FB4]  }
0x2d: {  	s3 =	simm.s32 $0x108;
	s8 =	sld [smem:$0x3FB5]  }
0x2e: {  	s3 =	simm.s32 @!p0 $0x1082;
	s9 =	sld [smem:$0x3FB6]  }
0x2f: {  	lr =	sadd.s32 s0, s3;
	s0 =	sld [smem:$0x3FAD]  }
0x30: {  	s3 =	sld [smem:$0x3FB0]  }
0x31: {  	[smem:$0x3FB9] =	sst s10  }
0x32: {  	s10 =	sld [smem:$0x3FB7];
	_ =	sdelay $0x3  }
0x33: {  	p0 =	seq.s32 s10, $0x1;
	s10 =	sld [smem:$0x3FB9];
	_ =	sdelay $0x3  }
0x34: {  	[smem:$0x3FB9] =	sst s10  }
0x35: {  	s10 =	sld [smem:$0x3FB8];
	_ =	sdelay $0x3  }
0x36: {  	p1 =	seq.s32 s10, $0x1;
	s10 =	sld [smem:$0x3FB9];
	_ =	sdelay $0x3  }
0x37: {  	[smem:$0x3FB9] =	sst s10  }
0x38: {  	s10 =	sld [smem:$0x3FBA]  }
0x39: {  	_ = 	snop;
	(pc) =	sbr.ind lr, $3  }
0x3a: {  	_ = 	snop  }
0x3b: {  	_ = 	snop  }
0x3c: {  	p2 =	seq.s32 s10, $0x1;
	s10 =	sld [smem:$0x3FB9]  }
0x3d: {  	_ =	shalt  }
0x3e: {  	_ =	shalt  }
0x3f: {  	_ =	shalt  }
0x40: {  	_ =	shalt  }
0x41: {  	_ =	shalt  }
0x42: {  	_ =	shalt  }
0x43: {  	_ =	shalt  }
0x44: {  	_ =	shalt  }
0x45: {  	_ =	shalt  }
0x46: {  	_ =	shalt  }
0x47: {  	_ =	shalt  }
0x48: {  	_ =	shalt  }
0x49: {  	_ =	shalt  }
0x4a: {  	_ =	shalt  }
0x4b: {  	_ =	shalt  }
0x4c: {  	_ =	shalt  }
0x4d: {  	_ =	shalt  }
0x4e: {  	_ =	shalt  }
0x4f: {  	_ =	shalt  }
0x50: {  	_ =	shalt  }
0x51: {  	_ =	shalt  }
0x52: {  	_ =	shalt  }
0x53: {  	_ =	shalt  }
0x54: {  	_ =	shalt  }
0x55: {  	_ =	shalt  }
0x56: {  	_ =	shalt  }
0x57: {  	_ =	shalt  }
0x58: {  	_ =	shalt  }
0x59: {  	_ =	shalt  }
0x5a: {  	_ =	shalt  }
0x5b: {  	_ =	shalt  }
0x5c: {  	_ =	shalt  }
0x5d: {  	_ =	shalt  }
0x5e: {  	_ =	shalt  }
0x5f: {  	_ =	shalt  }
0x60: {  	_ =	shalt  }
0x61: {  	_ =	shalt  }
0x62: {  	_ =	shalt  }
0x63: {  	_ =	shalt  }
0x64: {  	_ =	shalt  }
0x65: {  	_ =	shalt  }
0x66: {  	_ =	shalt  }
0x67: {  	_ =	shalt  }
0x68: {  	_ =	shalt  }
0x69: {  	_ =	shalt  }
0x6a: {  	_ =	shalt  }
0x6b: {  	_ =	shalt  }
0x6c: {  	_ =	shalt  }
0x6d: {  	_ =	shalt  }
0x6e: {  	_ =	shalt  }
0x6f: {  	_ =	shalt  }
0x70: {  	_ =	shalt  }
0x71: {  	_ =	shalt  }
0x72: {  	_ =	shalt  }
0x73: {  	_ =	shalt  }
0x74: {  	_ =	shalt  }
0x75: {  	_ =	shalt  }
0x76: {  	_ =	shalt  }
0x77: {  	_ =	shalt  }
0x78: {  	_ =	shalt  }
0x79: {  	_ =	shalt  }
0x7a: {  	_ =	shalt  }
0x7b: {  	_ =	shalt  }
0x7c: {  	_ =	shalt  }
0x7d: {  	_ =	shalt  }
0x7e: {  	_ =	shalt  }
0x7f: {  	_ =	shalt  }
0x80: {  	_ =	shalt  }
0x81: {  	_ =	shalt  }
0x82: {  	_ =	shalt  }
0x83: {  	_ =	shalt  }
0x84: {  	_ =	shalt  }
0x85: {  	_ =	shalt  }
0x86: {  	_ =	shalt  }
0x87: {  	_ =	shalt  }
.Lfunc_end0:
.L_simem_size_0:
called_computation_lowered:
.L_overlay_start_0:
0x88: {  	s2 =	sld [smem:$0x3FD9]  }
0x89: {  	s3 =	sld [smem:$0x3FFE];
	_ =	sdelay $0x1  }
0x8a: {  	s1 =	srdreg.scid  }
0x8b: {  	s0 =	sand.u32 $0x1, s1  }
0x8c: {  	s17 =	sshll.u32 s0, $0xA;
	s2 =	sadd.s32 s3, s2  }
0x8d: {  	s2 =	sadd.s32 s2, s17  }
0x8e: {  	[smem:$0x3FC5] =	sst s2  }
0x8f: {  	_ = 	snop  }
0x90: {  	s2 =	sld [smem:$0x3FC9]  }
0x91: {  	s18 =	sld [smem:$0x3FC7]  }
0x92: {  	s4 =	sld [smem:$0x3FD0];
	(tm) =	ssettm $0x1  }
0x93: {  	s5 =	sld [smem:$0x3FFB];
	_ =	sdelay $0x3  }
0x94: {  	_ =	strace s5  }
0x95: {  	s5 =	sld [smem:$0x3FFC];
	_ =	sdelay $0x3  }
0x96: {  	_ =	strace s5  }
0x97: {  	s5 =	sld [smem:$0x3FFD];
	_ =	sdelay $0x3  }
0x98: {  	_ =	strace s5  }
0x99: {  	_ =	strace $0x8FFFFFFF  }
0x9a: {  	s19 =	sld [smem:$0x3FDB];
	_ =	sdelay $0x1  }
0x9b: {  	s6 =	simm.s32 $_scs_section_size  }
0x9c: {  	s7 =	simm.s32 $_size__tile_overlayer_lowered;
	s8 =	simm.s32 $_tile_overlayer_lowered  }
0x9d: {  	s22 =	simm.s32 $0x1BFF;
	s21 =	sshll.u32 s8, $0x1;
	s5 =	sadd.s32 s6, s19  }
0x9e: {  	s9 =	simm.s32 $0x0;
	s20 =	sshll.u32 s7, $0x1;
	s7 =	sadd.s32 s21, s5  }
0x9f: {  	[timem:s9], [sflag:s22] =	dma.local [hbm:s7], s20  }
0xa0: {  	_ =	swait.ge [sflag:s22], s20  }
0xa1: {  	s6 =	ssub.s32 $0x0, s20;
	[sflag:s22] =	ssyncset.done $0x0  }
0xa2: {  	[sflag:s22] =	ssyncadd.s32 s6;
	_ =	sdelay $0x1  }
0xa3: {  	s23 =	simm.s32 $0x1B8B  }
0xa4: {  	_ =	swait.ge [sflag:s23], $0x1  }
0xa5: {  	[sflag:s23] =	ssyncset.done $0x0  }
0xa6: {  	s25 =	simm.s32 $0x1B8E;
	s24 =	sld [smem:$0x3FFE];
	[sflag:s23] =	ssyncadd.s32 $0xFFFFFFFF  }
0xa7: {  	s26 =	simm.s32 $execute0_lowered;
	[smem:$0x3FD2] =	sst s25  }
0xa8: {  	s7 =	sshll.u32 s26, $0x1;
	_ =	strace $0x80000046;
	[dreg:$0x1] =	wrdreg $0xFFFFFFFF  }
0xa9: {  	s28 =	simm.s32 $_size_execute0_lowered;
	s5 =	sadd.s32 s5, s7;
	[dreg:$0x0] =	wrdreg $0x0  }
0xaa: {  	s7 =	sshll.u32 s28, $0x1;
	[dreg:$0x2] =	wrdreg s5  }
0xab: {  	[dreg:$0x3] =	wrdreg s7  }
0xac: {  	[dreg:$0x4] =	wrdreg $0xC0  }
0xad: {  	_ =	task [dreg:s9], $0x5FFFF  }
0xae: {  	[dreg:$0x1] =	wrdreg $0xFFFFFFFF  }
0xaf: {  	[dreg:$0x0] =	wrdreg $0x60  }
0xb0: {  	[dreg:$0x2] =	wrdreg s2  }
0xb1: {  	[dreg:$0x3] =	wrdreg s4  }
0xb2: {  	[dreg:$0x4] =	wrdreg s18  }
0xb3: {  	[dreg:$0x5] =	wrdreg s24  }
0xb4: {  	[dreg:$0x6] =	wrdreg $0x9  }
0xb5: {  	_ =	task.clear_ibuf [dreg:s9], $0x7FFFF;
	_ =	strace $0x90000046  }
0xb6: {  	s29 =	simm.s32 $0x9;
	_ =	strace $0x80000048  }
0xb7: {  	_ =	swait.ge [sflag:s29], $0x1  }
0xb8: {  	[sflag:s29] =	ssyncadd.s32 $0xFFFFFFFF  }
0xb9: {  	_ =	strace $0x90000048  }
0xba: {  	_ =	sfence  }
0xbb: {  	s30 =	sld [smem:$0x0];
	_ =	sdelay $0x2  }
0xbc: {  	s31 =	sshll.u32 s1, $0xD;
	s1 =	sshrl.u32 s1, $0x2  }
0xbd: {  	s3 =	sand.u32 $0x4000, s31;
	s1 =	sadd.s32 s1, s30  }
0xbe: {  	s0 =	sor.u32 s3, s0;
	s1 =	sshll.u32 s1, $0x11  }
0xbf: {  	s0 =	sor.u32 s1, s0  }
0xc0: {  	s0 =	sadd.s32 $0x8F2B, s0  }
0xc1: {  	[sflag:s0] =	ssyncadd.remote.s32 $0x1  }
0xc2: {  	_ =	sfence.sel $0xFFFF  }
0xc3: {  	[dreg:$0x0] =	wrdreg $0xFFFFFFFF;
	(pc) =	sbr.abs _section_cstart, $3  }
0xc4: {  	[dreg:$0x1] =	wrdreg $0xFFFFFFFF  }
0xc5: {  	_ =	task.clear_ibuf [dreg:s9], $0x2FFFF;
	_ =	strace $0x9FFFFFFF  }
0xc6: {  	(tm) =	ssettm $0x7FFFFFFF  }
0xc7: {  	_ =	shalt  }
tec
execute0_lowered:
.L_overlay_start_1:
0x0: {  	(tag) =	ssettag $0x1  }
0x1: {  	s0 =	rddreg [dreg:$0x0]  }
0x2: {  	v0 =	vimm.s32 $0xFEDCBA9;
	v1 =	vimm.s32 $0x87654321;
	s1 =	rddreg [dreg:$0x1];
	v2 =	vimm.s32 $0x10FEDCBA  }
0x3: {  	s2 =	rddreg [dreg:$0x2];
	v3 =	vimm.s32 $0x98765432;
	v4 =	vimm.s32 $0x3210FEDC;
	v5 =	vimm.s32 $0xFEDCBA98  }
0x4: {  	s6 =	rddreg [dreg:$0x3];
	v6 =	vimm.s32 $0xBA987654;
	v7 =	vimm.s32 $0x76543210;
	v0 =	vunpack.c.l.s4.s8 v0  }
0x5: {  	s3 =	rddreg [dreg:$0x4];
	s4 =	simm.s32 $0x0;
	s5 =	srdreg.scid;
	v1 =	vunpack.c.l.s4.s8 v1;
	v2 =	vunpack.c.l.s4.s8 v2;
	v3 =	vunpack.c.l.s4.s8 v3  }
0x6: {  	s11 =	simm.s32 $0x14000;
	s12 =	simm.s32 $0x8000;
	s13 =	simm.s32 $0x0;
	v5 =	vunpack.c.l.s4.s8 v5;
	v4 =	vunpack.c.l.s4.s8 v4;
	v6 =	vunpack.c.l.s4.s8 v6  }
.Ltmp0:
0x7: {  	[smem:$0x7FF] =	sst s4;
	s7 =	sand.u32 $0x1, s5;
	v7 =	vunpack.c.l.s4.s8 v7;
	v0 =	vunpack.c.0.s8.s32 v0;
	v1 =	vunpack.c.0.s8.s32 v1;
	(pc) =	sbr.rel .LBB2_1-.Ltmp0, $4  }
0x8: {  	s5 =	stileid.u32;
	s6 =	sadd.s32 $0x400, s6;
	s8 =	ssub.s32 $0x2, s7;
	v2 =	vunpack.c.0.s8.s32 v2;
	v3 =	vunpack.c.0.s8.s32 v3;
	v5 =	vunpack.c.0.s8.s32 v5  }
0x9: {  	s10 =	sshll.u32 s5, $0xC;
	s7 =	sshll.u32 s7, $0xB;
	s9 =	sshrl.u32 s8, $0x1;
	v4 =	vunpack.c.0.s8.s32 v4;
	v6 =	vunpack.c.0.s8.s32 v6;
	v7 =	vunpack.c.0.s8.s32 v7  }
0xa: {  	_ =	strace $0x80000047;
	s7 =	sor.u32 s7, s10;
	s8 =	ssub.s32 s8, s9;
	v0 =	vcombine.low v1, v0;
	v1 =	vcombine.low v3, v2;
	v5 =	vand.u32 $0xF, v5  }
0xb: {  	s10 =	simm.s32 $0x1;
	s9 =	simm.s32 $0xC000;
	s8 =	smax.u32 s8, $0x1;
	v2 =	vcombine.low v6, v4;
	v3 =	vimm.s32 $0x0;
	v4 =	vcombine.low v5, v7  }
.LBB2_9:
0xc: {  	s13 =	sadd.s32 $0x1, s13  }
0xd: {  	p0 =	sne.s32 s13, s8  }
.Ltmp1:
0xe: {  	_ = 	snop;
	(pc) =	sbr.rel @!p0 .LBB2_10-.Ltmp1, $1  }
0xf: {  	_ =	sdelay $0x3  }
.LBB2_1:
0x10: {  	[tilespmem:s9], [sflag:$0x1] =	stream.linear.gather [hbm4b:s1+s4], $0x8000, $0x38;
	[tilespmem:$0x14080] =	vst v63  }
0x11: {  	_ =	swait.ge [sflag:s10], $0x8000  }
0x12: {  	[sflag:s10] =	ssyncset.done $0x0  }
0x13: {  	[sflag:s10] =	ssyncadd.s32 $0xFFFF8000  }
0x14: {  	[tilespmem:s11], [sflag:$0x1] =	stream.linear.gather [hbm4b:s2+s4], $0x80, $0x38;
	[tilespmem:$0x14080] =	vst v63  }
0x15: {  	_ =	swait.ge [sflag:s10], $0x80  }
0x16: {  	[sflag:s10] =	ssyncset.done $0x0  }
0x17: {  	[sflag:s10] =	ssyncadd.s32 $0xFFFFFF80  }
.Ltmp2:
0x18: {  	v6 =	vld [tilespmem:$0x14010];
	(pc) =	sbr.rel .LBB2_2-.Ltmp2, $4  }
0x19: {  	v5 =	vld [tilespmem:$0x14000]  }
0x1a: {  	v8 =	vld [tilespmem:$0x14030]  }
0x1b: {  	v7 =	vld [tilespmem:$0x14020]  }
0x1c: {  	s14 =	simm.s32 $0x0  }
.LBB2_8:
0x1d: {  	s14 =	sadd.s32 $0x1, s14  }
0x1e: {  	s15 =	sshll.u32 s15, $0x4;
	p0 =	sne.s32 s14, $0x10  }
.Ltmp3:
0x1f: {  	s15 =	sadd.s32 s6, s15;
	(pc) =	sbr.rel @!p0 .LBB2_9-.Ltmp3, $4  }
0x20: {  	[hbm4b:s15+s4] =	stream.linear.scatter [tilespmem:s12], [sflag:$0x1], $0x4000, $0x38;
	[tilespmem:$0x14080] =	vst v63  }
0x21: {  	_ =	swait.ge [sflag:s10], $0x4000  }
0x22: {  	[sflag:s10] =	ssyncset.done $0x0  }
0x23: {  	[sflag:s10] =	ssyncadd.s32 $0xFFFFC000  }
.LBB2_2:
0x24: {  	s15 =	sshll.u32 s14, $0x7  }
0x25: {  	s15 =	sadd.s32 s7, s15  }
0x26: {  	s16 =	sshll.u32 s15, $0x5  }
0x27: {  	s16 =	sadd.s32 s0, s16  }
0x28: {  	[tilespmem:s4], [sflag:$0x1] =	stream.linear.gather [hbm4b:s16+s4], $0x8000, $0x38;
	[tilespmem:$0x14080] =	vst v63  }
0x29: {  	_ =	swait.ge [sflag:s10], $0x8000  }
0x2a: {  	[sflag:s10] =	ssyncset.done $0x0  }
0x2b: {  	s16 =	simm.s32 $0x8100;
	[sflag:s10] =	ssyncadd.s32 $0xFFFF8000  }
0x2c: {  	[tilespmem:s16+$0xFFFFFF00] =	vst v5  }
0x2d: {  	[tilespmem:s16+$0xB0] =	vst v8  }
0x2e: {  	[tilespmem:s16+$0xA0] =	vst v7  }
0x2f: {  	[tilespmem:s16+$0x90] =	vst v6  }
0x30: {  	[tilespmem:s16+$0x80] =	vst v5  }
0x31: {  	[tilespmem:s16+$0x30] =	vst v8  }
0x32: {  	[tilespmem:s16+$0x20] =	vst v7  }
0x33: {  	[tilespmem:s16+$0x10] =	vst v6  }
0x34: {  	[tilespmem:s16+$0x0] =	vst v5  }
0x35: {  	[tilespmem:s16+$0xFFFFFFB0] =	vst v8  }
0x36: {  	[tilespmem:s16+$0xFFFFFFA0] =	vst v7  }
0x37: {  	[tilespmem:s16+$0xFFFFFF90] =	vst v6  }
0x38: {  	[tilespmem:s16+$0xFFFFFF80] =	vst v5  }
0x39: {  	[tilespmem:s16+$0xFFFFFF30] =	vst v8  }
0x3a: {  	s17 =	simm.s32 $0x0;
	[tilespmem:s16+$0xFFFFFF20] =	vst v7  }
.LBB2_3:
0x3b: {  	s17 =	sadd.s32 $0x4, s17;
	[tilespmem:s16+$0xFFFFFF10] =	vst v6;
	s16 =	sadd.s32 $0x200, s16  }
0x3c: {  	[tilespmem:s16+$0xFFFFFF00] =	vst v5;
	p0 =	slt.u32 s17, $0x7C  }
0x3d: {  	[tilespmem:s16+$0xB0] =	vst v8  }
0x3e: {  	[tilespmem:s16+$0xA0] =	vst v7  }
0x3f: {  	[tilespmem:s16+$0x90] =	vst v6  }
0x40: {  	[tilespmem:s16+$0x80] =	vst v5  }
0x41: {  	[tilespmem:s16+$0x30] =	vst v8  }
0x42: {  	[tilespmem:s16+$0x20] =	vst v7  }
0x43: {  	[tilespmem:s16+$0x10] =	vst v6  }
0x44: {  	[tilespmem:s16+$0x0] =	vst v5  }
0x45: {  	[tilespmem:s16+$0xFFFFFFB0] =	vst v8  }
.Ltmp4:
0x46: {  	[tilespmem:s16+$0xFFFFFFA0] =	vst v7;
	(pc) =	sbr.rel @p0 .LBB2_3-.Ltmp4, $4  }
0x47: {  	[tilespmem:s16+$0xFFFFFF90] =	vst v6  }
0x48: {  	[tilespmem:s16+$0xFFFFFF80] =	vst v5  }
0x49: {  	[tilespmem:s16+$0xFFFFFF30] =	vst v8  }
0x4a: {  	[tilespmem:s16+$0xFFFFFF20] =	vst v7  }
.Ltmp5:
0x4b: {  	(pc) =	sbr.rel .LBB2_5-.Ltmp5, $2  }
0x4c: {  	_ =	sdelay $0x2  }
0x4d: {  	[tilespmem:s16+$0xFFFFFF10] =	vst v6;
	s16 =	simm.s32 $0x0;
	s17 =	simm.s32 $0x0;
	s18 =	simm.s32 $0x0  }
.LBB2_7:
0x4e: {  	s18 =	sadd.s32 $0x1, s18  }
0x4f: {  	p0 =	sne.s32 s18, $0x800  }
.Ltmp6:
0x50: {  	_ = 	snop;
	(pc) =	sbr.rel @!p0 .LBB2_8-.Ltmp6, $2  }
0x51: {  	_ =	sdelay $0x2  }
0x52: {  	s17 =	sadd.s32 $0x10, s17;
	s16 =	sadd.s32 $0x80, s16  }
.LBB2_5:
0x53: {  	s19 =	sshll.u32 s18, $0x4  }
0x54: {  	s21 =	sand.u32 $0x400, s16;
	s20 =	sand.u32 $0x7800, s19;
	s19 =	sshll.u32 s18, $0x3  }
0x55: {  	s22 =	sand.u32 $0x380, s19;
	s20 =	sor.u32 s21, s20  }
0x56: {  	s30 =	sand.u32 $0x70, s17;
	s20 =	sor.u32 s22, s20  }
0x57: {  	s20 =	sor.u32 s30, s20  }
0x58: {  	v9 =	vld [tilespmem:s20+$0x0];
	_ =	sdelay $0x4  }
0x59: {  	vm0 =	vlt.f32 v9, $0.0e+00;
	vm1 =	vgt.f32 v9, $0.0e+00  }
0x5a: {  	vm0 =	vmor vm1, vm0  }
0x5b: {  	v10 =	vsel vm0, $0x1, v3  }
0x5c: {  	v11 =	vperm.xlane v10, v0;
	_ =	sdelay $0x1  }
0x5d: {  	v10 =	vor.u32 v10, v11  }
0x5e: {  	v11 =	vperm.xlane v10, v1;
	_ =	sdelay $0x1  }
0x5f: {  	v10 =	vor.u32 v11, v10  }
0x60: {  	v11 =	vperm.xlane v10, v2;
	_ =	sdelay $0x1  }
0x61: {  	v10 =	vor.u32 v11, v10  }
0x62: {  	v11 =	vperm.xlane v10, v4;
	_ =	sdelay $0x1  }
0x63: {  	v10 =	vor.u32 v11, v10  }
0x64: {  	(v2sf) =	vpush v10, $0x0;
	_ =	sdelay $0xe  }
0x65: {  	s31 =	spop (v2sf)  }
0x66: {  	p0 =	seq.s32 s31, $0x0  }
.Ltmp7:
0x67: {  	_ = 	snop;
	(pc) =	sbr.rel @p0 .LBB2_7-.Ltmp7, $1  }
0x68: {  	_ =	sdelay $0x3  }
0x69: {  	(v2sf) =	vpush v9, $0x0;
	_ =	sdelay $0xe  }
0x6a: {  	s20 =	spop (v2sf)  }
0x6b: {  	p0 =	slt.f32 s20, $0.0e+00;
	p1 =	sgt.f32 s20, $0.0e+00  }
0x6c: {  	_ = 	snop  }
0x6d: {  	p0 =	por p1, p0  }
0x6e: {  	s20 =	sand.u32 $0xF0, s17;
	p0 =	por !p0, !p0  }
0x6f: {  	s21 =	sshll.u32 @!p0 s20, $0x7  }
0x70: {  	v10 =	vld @!p0 [tilespmem:s21+$0xC000]  }
0x71: {  	s19 =	sand.u32 $0xFFFFFF80, s19  }
0x72: {  	v11 =	vld @!p0 [tilespmem:s19+$0x8000]  }
0x73: {  	v12 =	vbroadcast @!p0 v9, $0x0;
	_ =	sdelay $0x1  }
0x74: {  	v10 =	vmul.f32 @!p0 v10, v12;
	_ =	sdelay $0x1  }
0x75: {  	v10 =	vadd.f32 @!p0 v10, v11;
	_ =	sdelay $0x1  }
0x76: {  	[tilespmem:s19+$0x8000] =	vst @!p0 v10  }
0x77: {  	v10 =	vld @!p0 [tilespmem:s21+$0xC010];
	_ =	sdelay $0x1  }
0x78: {  	v11 =	vld @!p0 [tilespmem:s19+$0x8010];
	_ =	sdelay $0x2  }
0x79: {  	v10 =	vmul.f32 @!p0 v10, v12;
	_ =	sdelay $0x1  }
0x7a: {  	v10 =	vadd.f32 @!p0 v10, v11;
	_ =	sdelay $0x1  }
0x7b: {  	(v2sf) =	vpush v9, $0x1;
	[tilespmem:s19+$0x8010] =	vst @!p0 v10  }
0x7c: {  	v10 =	vld @!p0 [tilespmem:s21+$0xC020];
	_ =	sdelay $0x1  }
0x7d: {  	v11 =	vld @!p0 [tilespmem:s19+$0x8020];
	_ =	sdelay $0x2  }
0x7e: {  	v10 =	vmul.f32 @!p0 v10, v12;
	_ =	sdelay $0x1  }
0x7f: {  	v10 =	vadd.f32 @!p0 v10, v11;
	_ =	sdelay $0x1  }
0x80: {  	[tilespmem:s19+$0x8020] =	vst @!p0 v10  }
0x81: {  	v10 =	vld @!p0 [tilespmem:s21+$0xC030];
	_ =	sdelay $0x1  }
0x82: {  	v11 =	vld @!p0 [tilespmem:s19+$0x8030];
	_ =	sdelay $0x1  }
0x83: {  	s25 =	spop (v2sf)  }
0x84: {  	p6 =	slt.f32 s25, $0.0e+00;
	p2 =	sgt.f32 s25, $0.0e+00;
	v10 =	vmul.f32 @!p0 v10, v12  }
0x85: {  	_ = 	snop  }
0x86: {  	p1 =	por p2, p6;
	v10 =	vadd.f32 @!p0 v10, v11  }
0x87: {  	p1 =	por !p1, !p1  }
0x88: {  	s21 =	sshll.u32 @!p1 s20, $0x7;
	[tilespmem:s19+$0x8030] =	vst @!p0 v10  }
0x89: {  	v10 =	vld @!p1 [tilespmem:s21+$0xC080];
	_ =	sdelay $0x1  }
0x8a: {  	v11 =	vld @!p1 [tilespmem:s19+$0x8000]  }
0x8b: {  	v12 =	vbroadcast @!p1 v9, $0x1;
	_ =	sdelay $0x1  }
0x8c: {  	v10 =	vmul.f32 @!p1 v10, v12;
	_ =	sdelay $0x1  }
0x8d: {  	v10 =	vadd.f32 @!p1 v10, v11;
	_ =	sdelay $0x1  }
0x8e: {  	[tilespmem:s19+$0x8000] =	vst @!p1 v10  }
0x8f: {  	v10 =	vld @!p1 [tilespmem:s21+$0xC090];
	_ =	sdelay $0x1  }
0x90: {  	v11 =	vld @!p1 [tilespmem:s19+$0x8010];
	_ =	sdelay $0x2  }
0x91: {  	v10 =	vmul.f32 @!p1 v10, v12;
	_ =	sdelay $0x1  }
0x92: {  	v10 =	vadd.f32 @!p1 v10, v11;
	_ =	sdelay $0x1  }
0x93: {  	(v2sf) =	vpush v9, $0x2;
	[tilespmem:s19+$0x8010] =	vst @!p1 v10  }
0x94: {  	v10 =	vld @!p1 [tilespmem:s21+$0xC0A0];
	_ =	sdelay $0x1  }
0x95: {  	v11 =	vld @!p1 [tilespmem:s19+$0x8020];
	_ =	sdelay $0x2  }
0x96: {  	v10 =	vmul.f32 @!p1 v10, v12;
	_ =	sdelay $0x1  }
0x97: {  	v10 =	vadd.f32 @!p1 v10, v11;
	_ =	sdelay $0x1  }
0x98: {  	[tilespmem:s19+$0x8020] =	vst @!p1 v10  }
0x99: {  	v10 =	vld @!p1 [tilespmem:s21+$0xC0B0];
	_ =	sdelay $0x1  }
0x9a: {  	v11 =	vld @!p1 [tilespmem:s19+$0x8030];
	_ =	sdelay $0x1  }
0x9b: {  	s26 =	spop (v2sf)  }
0x9c: {  	p3 =	slt.f32 s26, $0.0e+00;
	p4 =	sgt.f32 s26, $0.0e+00;
	v10 =	vmul.f32 @!p1 v10, v12  }
0x9d: {  	_ = 	snop  }
0x9e: {  	p0 =	por p4, p3;
	v10 =	vadd.f32 @!p1 v10, v11  }
0x9f: {  	p0 =	por !p0, !p0  }
0xa0: {  	s21 =	sshll.u32 @!p0 s20, $0x7;
	[tilespmem:s19+$0x8030] =	vst @!p1 v10  }
0xa1: {  	v10 =	vld @!p0 [tilespmem:s21+$0xC100];
	_ =	sdelay $0x1  }
0xa2: {  	v11 =	vld @!p0 [tilespmem:s19+$0x8000]  }
0xa3: {  	v12 =	vbroadcast @!p0 v9, $0x2;
	_ =	sdelay $0x1  }
0xa4: {  	v10 =	vmul.f32 @!p0 v10, v12;
	_ =	sdelay $0x1  }
0xa5: {  	v10 =	vadd.f32 @!p0 v10, v11;
	_ =	sdelay $0x1  }
0xa6: {  	[tilespmem:s19+$0x8000] =	vst @!p0 v10  }
0xa7: {  	v10 =	vld @!p0 [tilespmem:s21+$0xC110];
	_ =	sdelay $0x1  }
0xa8: {  	v11 =	vld @!p0 [tilespmem:s19+$0x8010];
	_ =	sdelay $0x2  }
0xa9: {  	v10 =	vmul.f32 @!p0 v10, v12;
	_ =	sdelay $0x1  }
0xaa: {  	v10 =	vadd.f32 @!p0 v10, v11;
	_ =	sdelay $0x1  }
0xab: {  	(v2sf) =	vpush v9, $0x3;
	[tilespmem:s19+$0x8010] =	vst @!p0 v10  }
0xac: {  	v10 =	vld @!p0 [tilespmem:s21+$0xC120];
	_ =	sdelay $0x1  }
0xad: {  	v11 =	vld @!p0 [tilespmem:s19+$0x8020];
	_ =	sdelay $0x2  }
0xae: {  	v10 =	vmul.f32 @!p0 v10, v12;
	_ =	sdelay $0x1  }
0xaf: {  	v10 =	vadd.f32 @!p0 v10, v11;
	_ =	sdelay $0x1  }
0xb0: {  	[tilespmem:s19+$0x8020] =	vst @!p0 v10  }
0xb1: {  	v10 =	vld @!p0 [tilespmem:s21+$0xC130];
	_ =	sdelay $0x1  }
0xb2: {  	v11 =	vld @!p0 [tilespmem:s19+$0x8030];
	_ =	sdelay $0x1  }
0xb3: {  	s28 =	spop (v2sf)  }
0xb4: {  	p5 =	slt.f32 s28, $0.0e+00;
	p6 =	sgt.f32 s28, $0.0e+00;
	v10 =	vmul.f32 @!p0 v10, v12  }
0xb5: {  	_ = 	snop  }
0xb6: {  	p1 =	por p6, p5;
	v10 =	vadd.f32 @!p0 v10, v11  }
0xb7: {  	p1 =	por !p1, !p1  }
0xb8: {  	s21 =	sshll.u32 @!p1 s20, $0x7;
	[tilespmem:s19+$0x8030] =	vst @!p0 v10  }
0xb9: {  	v10 =	vld @!p1 [tilespmem:s21+$0xC180];
	_ =	sdelay $0x1  }
0xba: {  	v11 =	vld @!p1 [tilespmem:s19+$0x8000]  }
0xbb: {  	v12 =	vbroadcast @!p1 v9, $0x3;
	_ =	sdelay $0x1  }
0xbc: {  	v10 =	vmul.f32 @!p1 v10, v12;
	_ =	sdelay $0x1  }
0xbd: {  	v10 =	vadd.f32 @!p1 v10, v11;
	_ =	sdelay $0x1  }
0xbe: {  	[tilespmem:s19+$0x8000] =	vst @!p1 v10  }
0xbf: {  	v10 =	vld @!p1 [tilespmem:s21+$0xC190];
	_ =	sdelay $0x1  }
0xc0: {  	v11 =	vld @!p1 [tilespmem:s19+$0x8010];
	_ =	sdelay $0x2  }
0xc1: {  	v10 =	vmul.f32 @!p1 v10, v12;
	_ =	sdelay $0x1  }
0xc2: {  	v10 =	vadd.f32 @!p1 v10, v11;
	_ =	sdelay $0x1  }
0xc3: {  	(v2sf) =	vpush v9, $0x4;
	[tilespmem:s19+$0x8010] =	vst @!p1 v10  }
0xc4: {  	v10 =	vld @!p1 [tilespmem:s21+$0xC1A0];
	_ =	sdelay $0x1  }
0xc5: {  	v11 =	vld @!p1 [tilespmem:s19+$0x8020];
	_ =	sdelay $0x2  }
0xc6: {  	v10 =	vmul.f32 @!p1 v10, v12;
	_ =	sdelay $0x1  }
0xc7: {  	v10 =	vadd.f32 @!p1 v10, v11;
	_ =	sdelay $0x1  }
0xc8: {  	[tilespmem:s19+$0x8020] =	vst @!p1 v10  }
0xc9: {  	v10 =	vld @!p1 [tilespmem:s21+$0xC1B0];
	_ =	sdelay $0x1  }
0xca: {  	v11 =	vld @!p1 [tilespmem:s19+$0x8030];
	_ =	sdelay $0x1  }
0xcb: {  	s29 =	spop (v2sf)  }
0xcc: {  	p3 =	slt.f32 s29, $0.0e+00;
	p4 =	sgt.f32 s29, $0.0e+00;
	v10 =	vmul.f32 @!p1 v10, v12  }
0xcd: {  	_ = 	snop  }
0xce: {  	p0 =	por p4, p3;
	v10 =	vadd.f32 @!p1 v10, v11  }
0xcf: {  	p0 =	por !p0, !p0  }
0xd0: {  	s21 =	sshll.u32 @!p0 s20, $0x7;
	[tilespmem:s19+$0x8030] =	vst @!p1 v10  }
0xd1: {  	v10 =	vld @!p0 [tilespmem:s21+$0xC200];
	_ =	sdelay $0x1  }
0xd2: {  	v11 =	vld @!p0 [tilespmem:s19+$0x8000]  }
0xd3: {  	v12 =	vbroadcast @!p0 v9, $0x4;
	_ =	sdelay $0x1  }
0xd4: {  	v10 =	vmul.f32 @!p0 v10, v12;
	_ =	sdelay $0x1  }
0xd5: {  	v10 =	vadd.f32 @!p0 v10, v11;
	_ =	sdelay $0x1  }
0xd6: {  	[tilespmem:s19+$0x8000] =	vst @!p0 v10  }
0xd7: {  	v10 =	vld @!p0 [tilespmem:s21+$0xC210];
	_ =	sdelay $0x1  }
0xd8: {  	v11 =	vld @!p0 [tilespmem:s19+$0x8010];
	_ =	sdelay $0x2  }
0xd9: {  	v10 =	vmul.f32 @!p0 v10, v12;
	_ =	sdelay $0x1  }
0xda: {  	v10 =	vadd.f32 @!p0 v10, v11;
	_ =	sdelay $0x1  }
0xdb: {  	(v2sf) =	vpush v9, $0x5;
	[tilespmem:s19+$0x8010] =	vst @!p0 v10  }
0xdc: {  	v10 =	vld @!p0 [tilespmem:s21+$0xC220];
	_ =	sdelay $0x1  }
0xdd: {  	v11 =	vld @!p0 [tilespmem:s19+$0x8020];
	_ =	sdelay $0x2  }
0xde: {  	v10 =	vmul.f32 @!p0 v10, v12;
	_ =	sdelay $0x1  }
0xdf: {  	v10 =	vadd.f32 @!p0 v10, v11;
	_ =	sdelay $0x1  }
0xe0: {  	[tilespmem:s19+$0x8020] =	vst @!p0 v10  }
0xe1: {  	v10 =	vld @!p0 [tilespmem:s21+$0xC230];
	_ =	sdelay $0x1  }
0xe2: {  	v11 =	vld @!p0 [tilespmem:s19+$0x8030];
	_ =	sdelay $0x1  }
0xe3: {  	s30 =	spop (v2sf)  }
0xe4: {  	p5 =	slt.f32 s30, $0.0e+00;
	p6 =	sgt.f32 s30, $0.0e+00;
	v10 =	vmul.f32 @!p0 v10, v12  }
0xe5: {  	_ = 	snop  }
0xe6: {  	p1 =	por p6, p5;
	v10 =	vadd.f32 @!p0 v10, v11  }
0xe7: {  	p1 =	por !p1, !p1  }
0xe8: {  	s21 =	sshll.u32 @!p1 s20, $0x7;
	[tilespmem:s19+$0x8030] =	vst @!p0 v10  }
0xe9: {  	v10 =	vld @!p1 [tilespmem:s21+$0xC280];
	_ =	sdelay $0x1  }
0xea: {  	v11 =	vld @!p1 [tilespmem:s19+$0x8000]  }
0xeb: {  	v12 =	vbroadcast @!p1 v9, $0x5;
	_ =	sdelay $0x1  }
0xec: {  	v10 =	vmul.f32 @!p1 v10, v12;
	_ =	sdelay $0x1  }
0xed: {  	v10 =	vadd.f32 @!p1 v10, v11;
	_ =	sdelay $0x1  }
0xee: {  	[tilespmem:s19+$0x8000] =	vst @!p1 v10  }
0xef: {  	v10 =	vld @!p1 [tilespmem:s21+$0xC290];
	_ =	sdelay $0x1  }
0xf0: {  	v11 =	vld @!p1 [tilespmem:s19+$0x8010];
	_ =	sdelay $0x2  }
0xf1: {  	v10 =	vmul.f32 @!p1 v10, v12;
	_ =	sdelay $0x1  }
0xf2: {  	v10 =	vadd.f32 @!p1 v10, v11;
	_ =	sdelay $0x1  }
0xf3: {  	(v2sf) =	vpush v9, $0x6;
	[tilespmem:s19+$0x8010] =	vst @!p1 v10  }
0xf4: {  	v10 =	vld @!p1 [tilespmem:s21+$0xC2A0];
	_ =	sdelay $0x1  }
0xf5: {  	v11 =	vld @!p1 [tilespmem:s19+$0x8020];
	_ =	sdelay $0x2  }
0xf6: {  	v10 =	vmul.f32 @!p1 v10, v12;
	_ =	sdelay $0x1  }
0xf7: {  	v10 =	vadd.f32 @!p1 v10, v11;
	_ =	sdelay $0x1  }
0xf8: {  	[tilespmem:s19+$0x8020] =	vst @!p1 v10  }
0xf9: {  	v10 =	vld @!p1 [tilespmem:s21+$0xC2B0];
	_ =	sdelay $0x1  }
0xfa: {  	v11 =	vld @!p1 [tilespmem:s19+$0x8030];
	_ =	sdelay $0x1  }
0xfb: {  	s31 =	spop (v2sf)  }
0xfc: {  	p3 =	slt.f32 s31, $0.0e+00;
	p4 =	sgt.f32 s31, $0.0e+00;
	v10 =	vmul.f32 @!p1 v10, v12  }
0xfd: {  	_ = 	snop  }
0xfe: {  	p0 =	por p4, p3;
	v10 =	vadd.f32 @!p1 v10, v11  }
0xff: {  	p0 =	por !p0, !p0  }
0x100: {  	s21 =	sshll.u32 @!p0 s20, $0x7;
	[tilespmem:s19+$0x8030] =	vst @!p1 v10  }
0x101: {  	v10 =	vld @!p0 [tilespmem:s21+$0xC300];
	_ =	sdelay $0x1  }
0x102: {  	v11 =	vld @!p0 [tilespmem:s19+$0x8000]  }
0x103: {  	v12 =	vbroadcast @!p0 v9, $0x6;
	_ =	sdelay $0x1  }
0x104: {  	v10 =	vmul.f32 @!p0 v10, v12;
	_ =	sdelay $0x1  }
0x105: {  	v10 =	vadd.f32 @!p0 v10, v11;
	_ =	sdelay $0x1  }
0x106: {  	[tilespmem:s19+$0x8000] =	vst @!p0 v10  }
0x107: {  	v10 =	vld @!p0 [tilespmem:s21+$0xC310];
	_ =	sdelay $0x1  }
0x108: {  	v11 =	vld @!p0 [tilespmem:s19+$0x8010];
	_ =	sdelay $0x2  }
0x109: {  	v10 =	vmul.f32 @!p0 v10, v12;
	_ =	sdelay $0x1  }
0x10a: {  	v10 =	vadd.f32 @!p0 v10, v11;
	_ =	sdelay $0x1  }
0x10b: {  	(v2sf) =	vpush v9, $0x7;
	[tilespmem:s19+$0x8010] =	vst @!p0 v10  }
0x10c: {  	v10 =	vld @!p0 [tilespmem:s21+$0xC320];
	_ =	sdelay $0x1  }
0x10d: {  	v11 =	vld @!p0 [tilespmem:s19+$0x8020];
	_ =	sdelay $0x2  }
0x10e: {  	v10 =	vmul.f32 @!p0 v10, v12;
	_ =	sdelay $0x1  }
0x10f: {  	v10 =	vadd.f32 @!p0 v10, v11;
	_ =	sdelay $0x1  }
0x110: {  	[tilespmem:s19+$0x8020] =	vst @!p0 v10  }
0x111: {  	v10 =	vld @!p0 [tilespmem:s21+$0xC330];
	_ =	sdelay $0x1  }
0x112: {  	v11 =	vld @!p0 [tilespmem:s19+$0x8030];
	_ =	sdelay $0x1  }
0x113: {  	s22 =	spop (v2sf)  }
0x114: {  	p5 =	slt.f32 s22, $0.0e+00;
	p6 =	sgt.f32 s22, $0.0e+00;
	v10 =	vmul.f32 @!p0 v10, v12  }
0x115: {  	_ = 	snop  }
0x116: {  	p1 =	por p6, p5;
	v10 =	vadd.f32 @!p0 v10, v11  }
0x117: {  	p1 =	por !p1, !p1  }
0x118: {  	s21 =	sshll.u32 @!p1 s20, $0x7;
	[tilespmem:s19+$0x8030] =	vst @!p0 v10  }
0x119: {  	v10 =	vld @!p1 [tilespmem:s21+$0xC380];
	_ =	sdelay $0x1  }
0x11a: {  	v11 =	vld @!p1 [tilespmem:s19+$0x8000]  }
0x11b: {  	v12 =	vbroadcast @!p1 v9, $0x7;
	_ =	sdelay $0x1  }
0x11c: {  	v10 =	vmul.f32 @!p1 v10, v12;
	_ =	sdelay $0x1  }
0x11d: {  	v10 =	vadd.f32 @!p1 v10, v11;
	_ =	sdelay $0x1  }
0x11e: {  	[tilespmem:s19+$0x8000] =	vst @!p1 v10  }
0x11f: {  	v10 =	vld @!p1 [tilespmem:s21+$0xC390];
	_ =	sdelay $0x1  }
0x120: {  	v11 =	vld @!p1 [tilespmem:s19+$0x8010];
	_ =	sdelay $0x2  }
0x121: {  	v10 =	vmul.f32 @!p1 v10, v12;
	_ =	sdelay $0x1  }
0x122: {  	v10 =	vadd.f32 @!p1 v10, v11;
	_ =	sdelay $0x1  }
0x123: {  	(v2sf) =	vpush v9, $0x8;
	[tilespmem:s19+$0x8010] =	vst @!p1 v10  }
0x124: {  	v10 =	vld @!p1 [tilespmem:s21+$0xC3A0];
	_ =	sdelay $0x1  }
0x125: {  	v11 =	vld @!p1 [tilespmem:s19+$0x8020];
	_ =	sdelay $0x2  }
0x126: {  	v10 =	vmul.f32 @!p1 v10, v12;
	_ =	sdelay $0x1  }
0x127: {  	v10 =	vadd.f32 @!p1 v10, v11;
	_ =	sdelay $0x1  }
0x128: {  	[tilespmem:s19+$0x8020] =	vst @!p1 v10  }
0x129: {  	v10 =	vld @!p1 [tilespmem:s21+$0xC3B0];
	_ =	sdelay $0x1  }
0x12a: {  	v11 =	vld @!p1 [tilespmem:s19+$0x8030];
	_ =	sdelay $0x1  }
0x12b: {  	s23 =	spop (v2sf)  }
0x12c: {  	p3 =	slt.f32 s23, $0.0e+00;
	p4 =	sgt.f32 s23, $0.0e+00;
	v10 =	vmul.f32 @!p1 v10, v12  }
0x12d: {  	_ = 	snop  }
0x12e: {  	p0 =	por p4, p3;
	v10 =	vadd.f32 @!p1 v10, v11  }
0x12f: {  	p0 =	por !p0, !p0  }
0x130: {  	s21 =	sshll.u32 @!p0 s20, $0x7;
	[tilespmem:s19+$0x8030] =	vst @!p1 v10  }
0x131: {  	v10 =	vld @!p0 [tilespmem:s21+$0xC400];
	_ =	sdelay $0x1  }
0x132: {  	v11 =	vld @!p0 [tilespmem:s19+$0x8000]  }
0x133: {  	v12 =	vbroadcast @!p0 v9, $0x8;
	_ =	sdelay $0x1  }
0x134: {  	v10 =	vmul.f32 @!p0 v10, v12;
	_ =	sdelay $0x1  }
0x135: {  	v10 =	vadd.f32 @!p0 v10, v11;
	_ =	sdelay $0x1  }
0x136: {  	[tilespmem:s19+$0x8000] =	vst @!p0 v10  }
0x137: {  	v10 =	vld @!p0 [tilespmem:s21+$0xC410];
	_ =	sdelay $0x1  }
0x138: {  	v11 =	vld @!p0 [tilespmem:s19+$0x8010];
	_ =	sdelay $0x2  }
0x139: {  	v10 =	vmul.f32 @!p0 v10, v12;
	_ =	sdelay $0x1  }
0x13a: {  	v10 =	vadd.f32 @!p0 v10, v11;
	_ =	sdelay $0x1  }
0x13b: {  	(v2sf) =	vpush v9, $0x9;
	[tilespmem:s19+$0x8010] =	vst @!p0 v10  }
0x13c: {  	v10 =	vld @!p0 [tilespmem:s21+$0xC420];
	_ =	sdelay $0x1  }
0x13d: {  	v11 =	vld @!p0 [tilespmem:s19+$0x8020];
	_ =	sdelay $0x2  }
0x13e: {  	v10 =	vmul.f32 @!p0 v10, v12;
	_ =	sdelay $0x1  }
0x13f: {  	v10 =	vadd.f32 @!p0 v10, v11;
	_ =	sdelay $0x1  }
0x140: {  	[tilespmem:s19+$0x8020] =	vst @!p0 v10  }
0x141: {  	v10 =	vld @!p0 [tilespmem:s21+$0xC430];
	_ =	sdelay $0x1  }
0x142: {  	v11 =	vld @!p0 [tilespmem:s19+$0x8030];
	_ =	sdelay $0x1  }
0x143: {  	s24 =	spop (v2sf)  }
0x144: {  	p5 =	slt.f32 s24, $0.0e+00;
	p6 =	sgt.f32 s24, $0.0e+00;
	v10 =	vmul.f32 @!p0 v10, v12  }
0x145: {  	_ = 	snop  }
0x146: {  	p1 =	por p6, p5;
	v10 =	vadd.f32 @!p0 v10, v11  }
0x147: {  	p1 =	por !p1, !p1  }
0x148: {  	s21 =	sshll.u32 @!p1 s20, $0x7;
	[tilespmem:s19+$0x8030] =	vst @!p0 v10  }
0x149: {  	v10 =	vld @!p1 [tilespmem:s21+$0xC480];
	_ =	sdelay $0x1  }
0x14a: {  	v11 =	vld @!p1 [tilespmem:s19+$0x8000]  }
0x14b: {  	v12 =	vbroadcast @!p1 v9, $0x9;
	_ =	sdelay $0x1  }
0x14c: {  	v10 =	vmul.f32 @!p1 v10, v12;
	_ =	sdelay $0x1  }
0x14d: {  	v10 =	vadd.f32 @!p1 v10, v11;
	_ =	sdelay $0x1  }
0x14e: {  	[tilespmem:s19+$0x8000] =	vst @!p1 v10  }
0x14f: {  	v10 =	vld @!p1 [tilespmem:s21+$0xC490];
	_ =	sdelay $0x1  }
0x150: {  	v11 =	vld @!p1 [tilespmem:s19+$0x8010];
	_ =	sdelay $0x2  }
0x151: {  	v10 =	vmul.f32 @!p1 v10, v12;
	_ =	sdelay $0x1  }
0x152: {  	v10 =	vadd.f32 @!p1 v10, v11;
	_ =	sdelay $0x1  }
0x153: {  	(v2sf) =	vpush v9, $0xA;
	[tilespmem:s19+$0x8010] =	vst @!p1 v10  }
0x154: {  	v10 =	vld @!p1 [tilespmem:s21+$0xC4A0];
	_ =	sdelay $0x1  }
0x155: {  	v11 =	vld @!p1 [tilespmem:s19+$0x8020];
	_ =	sdelay $0x2  }
0x156: {  	v10 =	vmul.f32 @!p1 v10, v12;
	_ =	sdelay $0x1  }
0x157: {  	v10 =	vadd.f32 @!p1 v10, v11;
	_ =	sdelay $0x1  }
0x158: {  	[tilespmem:s19+$0x8020] =	vst @!p1 v10  }
0x159: {  	v10 =	vld @!p1 [tilespmem:s21+$0xC4B0];
	_ =	sdelay $0x1  }
0x15a: {  	v11 =	vld @!p1 [tilespmem:s19+$0x8030];
	_ =	sdelay $0x1  }
0x15b: {  	s25 =	spop (v2sf)  }
0x15c: {  	p3 =	slt.f32 s25, $0.0e+00;
	p4 =	sgt.f32 s25, $0.0e+00;
	v10 =	vmul.f32 @!p1 v10, v12  }
0x15d: {  	_ = 	snop  }
0x15e: {  	p0 =	por p4, p3;
	v10 =	vadd.f32 @!p1 v10, v11  }
0x15f: {  	p0 =	por !p0, !p0  }
0x160: {  	s21 =	sshll.u32 @!p0 s20, $0x7;
	[tilespmem:s19+$0x8030] =	vst @!p1 v10  }
0x161: {  	v10 =	vld @!p0 [tilespmem:s21+$0xC500];
	_ =	sdelay $0x1  }
0x162: {  	v11 =	vld @!p0 [tilespmem:s19+$0x8000]  }
0x163: {  	v12 =	vbroadcast @!p0 v9, $0xA;
	_ =	sdelay $0x1  }
0x164: {  	v10 =	vmul.f32 @!p0 v10, v12;
	_ =	sdelay $0x1  }
0x165: {  	v10 =	vadd.f32 @!p0 v10, v11;
	_ =	sdelay $0x1  }
0x166: {  	[tilespmem:s19+$0x8000] =	vst @!p0 v10  }
0x167: {  	v10 =	vld @!p0 [tilespmem:s21+$0xC510];
	_ =	sdelay $0x1  }
0x168: {  	v11 =	vld @!p0 [tilespmem:s19+$0x8010];
	_ =	sdelay $0x2  }
0x169: {  	v10 =	vmul.f32 @!p0 v10, v12;
	_ =	sdelay $0x1  }
0x16a: {  	v10 =	vadd.f32 @!p0 v10, v11;
	_ =	sdelay $0x1  }
0x16b: {  	(v2sf) =	vpush v9, $0xB;
	[tilespmem:s19+$0x8010] =	vst @!p0 v10  }
0x16c: {  	v10 =	vld @!p0 [tilespmem:s21+$0xC520];
	_ =	sdelay $0x1  }
0x16d: {  	v11 =	vld @!p0 [tilespmem:s19+$0x8020];
	_ =	sdelay $0x2  }
0x16e: {  	v10 =	vmul.f32 @!p0 v10, v12;
	_ =	sdelay $0x1  }
0x16f: {  	v10 =	vadd.f32 @!p0 v10, v11;
	_ =	sdelay $0x1  }
0x170: {  	[tilespmem:s19+$0x8020] =	vst @!p0 v10  }
0x171: {  	v10 =	vld @!p0 [tilespmem:s21+$0xC530];
	_ =	sdelay $0x1  }
0x172: {  	v11 =	vld @!p0 [tilespmem:s19+$0x8030];
	_ =	sdelay $0x1  }
0x173: {  	s26 =	spop (v2sf)  }
0x174: {  	p5 =	slt.f32 s26, $0.0e+00;
	p6 =	sgt.f32 s26, $0.0e+00;
	v10 =	vmul.f32 @!p0 v10, v12  }
0x175: {  	_ = 	snop  }
0x176: {  	p1 =	por p6, p5;
	v10 =	vadd.f32 @!p0 v10, v11  }
0x177: {  	p1 =	por !p1, !p1  }
0x178: {  	s21 =	sshll.u32 @!p1 s20, $0x7;
	[tilespmem:s19+$0x8030] =	vst @!p0 v10  }
0x179: {  	v10 =	vld @!p1 [tilespmem:s21+$0xC580];
	_ =	sdelay $0x1  }
0x17a: {  	v11 =	vld @!p1 [tilespmem:s19+$0x8000]  }
0x17b: {  	v12 =	vbroadcast @!p1 v9, $0xB;
	_ =	sdelay $0x1  }
0x17c: {  	v10 =	vmul.f32 @!p1 v10, v12;
	_ =	sdelay $0x1  }
0x17d: {  	v10 =	vadd.f32 @!p1 v10, v11;
	_ =	sdelay $0x1  }
0x17e: {  	[tilespmem:s19+$0x8000] =	vst @!p1 v10  }
0x17f: {  	v10 =	vld @!p1 [tilespmem:s21+$0xC590];
	_ =	sdelay $0x1  }
0x180: {  	v11 =	vld @!p1 [tilespmem:s19+$0x8010];
	_ =	sdelay $0x2  }
0x181: {  	v10 =	vmul.f32 @!p1 v10, v12;
	_ =	sdelay $0x1  }
0x182: {  	v10 =	vadd.f32 @!p1 v10, v11;
	_ =	sdelay $0x1  }
0x183: {  	(v2sf) =	vpush v9, $0xC;
	[tilespmem:s19+$0x8010] =	vst @!p1 v10  }
0x184: {  	v10 =	vld @!p1 [tilespmem:s21+$0xC5A0];
	_ =	sdelay $0x1  }
0x185: {  	v11 =	vld @!p1 [tilespmem:s19+$0x8020];
	_ =	sdelay $0x2  }
0x186: {  	v10 =	vmul.f32 @!p1 v10, v12;
	_ =	sdelay $0x1  }
0x187: {  	v10 =	vadd.f32 @!p1 v10, v11;
	_ =	sdelay $0x1  }
0x188: {  	[tilespmem:s19+$0x8020] =	vst @!p1 v10  }
0x189: {  	v10 =	vld @!p1 [tilespmem:s21+$0xC5B0];
	_ =	sdelay $0x1  }
0x18a: {  	v11 =	vld @!p1 [tilespmem:s19+$0x8030];
	_ =	sdelay $0x1  }
0x18b: {  	s28 =	spop (v2sf)  }
0x18c: {  	p3 =	slt.f32 s28, $0.0e+00;
	p4 =	sgt.f32 s28, $0.0e+00;
	v10 =	vmul.f32 @!p1 v10, v12  }
0x18d: {  	_ = 	snop  }
0x18e: {  	p0 =	por p4, p3;
	v10 =	vadd.f32 @!p1 v10, v11  }
0x18f: {  	p0 =	por !p0, !p0  }
0x190: {  	s21 =	sshll.u32 @!p0 s20, $0x7;
	[tilespmem:s19+$0x8030] =	vst @!p1 v10  }
0x191: {  	v10 =	vld @!p0 [tilespmem:s21+$0xC600];
	_ =	sdelay $0x1  }
0x192: {  	v11 =	vld @!p0 [tilespmem:s19+$0x8000]  }
0x193: {  	v12 =	vbroadcast @!p0 v9, $0xC;
	_ =	sdelay $0x1  }
0x194: {  	v10 =	vmul.f32 @!p0 v10, v12;
	_ =	sdelay $0x1  }
0x195: {  	v10 =	vadd.f32 @!p0 v10, v11;
	_ =	sdelay $0x1  }
0x196: {  	[tilespmem:s19+$0x8000] =	vst @!p0 v10  }
0x197: {  	v10 =	vld @!p0 [tilespmem:s21+$0xC610];
	_ =	sdelay $0x1  }
0x198: {  	v11 =	vld @!p0 [tilespmem:s19+$0x8010];
	_ =	sdelay $0x2  }
0x199: {  	v10 =	vmul.f32 @!p0 v10, v12;
	_ =	sdelay $0x1  }
0x19a: {  	v10 =	vadd.f32 @!p0 v10, v11;
	_ =	sdelay $0x1  }
0x19b: {  	(v2sf) =	vpush v9, $0xD;
	[tilespmem:s19+$0x8010] =	vst @!p0 v10  }
0x19c: {  	v10 =	vld @!p0 [tilespmem:s21+$0xC620];
	_ =	sdelay $0x1  }
0x19d: {  	v11 =	vld @!p0 [tilespmem:s19+$0x8020];
	_ =	sdelay $0x2  }
0x19e: {  	v10 =	vmul.f32 @!p0 v10, v12;
	_ =	sdelay $0x1  }
0x19f: {  	v10 =	vadd.f32 @!p0 v10, v11;
	_ =	sdelay $0x1  }
0x1a0: {  	[tilespmem:s19+$0x8020] =	vst @!p0 v10  }
0x1a1: {  	v10 =	vld @!p0 [tilespmem:s21+$0xC630];
	_ =	sdelay $0x1  }
0x1a2: {  	v11 =	vld @!p0 [tilespmem:s19+$0x8030];
	_ =	sdelay $0x1  }
0x1a3: {  	s29 =	spop (v2sf)  }
0x1a4: {  	p5 =	slt.f32 s29, $0.0e+00;
	p6 =	sgt.f32 s29, $0.0e+00;
	v10 =	vmul.f32 @!p0 v10, v12  }
0x1a5: {  	_ = 	snop  }
0x1a6: {  	p1 =	por p6, p5;
	v10 =	vadd.f32 @!p0 v10, v11  }
0x1a7: {  	p1 =	por !p1, !p1  }
0x1a8: {  	s21 =	sshll.u32 @!p1 s20, $0x7;
	[tilespmem:s19+$0x8030] =	vst @!p0 v10  }
0x1a9: {  	v10 =	vld @!p1 [tilespmem:s21+$0xC680];
	_ =	sdelay $0x1  }
0x1aa: {  	v11 =	vld @!p1 [tilespmem:s19+$0x8000]  }
0x1ab: {  	v12 =	vbroadcast @!p1 v9, $0xD;
	_ =	sdelay $0x1  }
0x1ac: {  	v10 =	vmul.f32 @!p1 v10, v12;
	_ =	sdelay $0x1  }
0x1ad: {  	v10 =	vadd.f32 @!p1 v10, v11;
	_ =	sdelay $0x1  }
0x1ae: {  	[tilespmem:s19+$0x8000] =	vst @!p1 v10  }
0x1af: {  	v10 =	vld @!p1 [tilespmem:s21+$0xC690];
	_ =	sdelay $0x1  }
0x1b0: {  	v11 =	vld @!p1 [tilespmem:s19+$0x8010];
	_ =	sdelay $0x2  }
0x1b1: {  	v10 =	vmul.f32 @!p1 v10, v12;
	_ =	sdelay $0x1  }
0x1b2: {  	v10 =	vadd.f32 @!p1 v10, v11;
	_ =	sdelay $0x1  }
0x1b3: {  	(v2sf) =	vpush v9, $0xE;
	[tilespmem:s19+$0x8010] =	vst @!p1 v10  }
0x1b4: {  	v10 =	vld @!p1 [tilespmem:s21+$0xC6A0];
	_ =	sdelay $0x1  }
0x1b5: {  	v11 =	vld @!p1 [tilespmem:s19+$0x8020];
	_ =	sdelay $0x2  }
0x1b6: {  	v10 =	vmul.f32 @!p1 v10, v12;
	_ =	sdelay $0x1  }
0x1b7: {  	v10 =	vadd.f32 @!p1 v10, v11;
	_ =	sdelay $0x1  }
0x1b8: {  	[tilespmem:s19+$0x8020] =	vst @!p1 v10  }
0x1b9: {  	v10 =	vld @!p1 [tilespmem:s21+$0xC6B0];
	_ =	sdelay $0x1  }
0x1ba: {  	v11 =	vld @!p1 [tilespmem:s19+$0x8030];
	_ =	sdelay $0x1  }
0x1bb: {  	s30 =	spop (v2sf)  }
0x1bc: {  	p3 =	slt.f32 s30, $0.0e+00;
	p4 =	sgt.f32 s30, $0.0e+00;
	v10 =	vmul.f32 @!p1 v10, v12  }
0x1bd: {  	_ = 	snop  }
0x1be: {  	p0 =	por p4, p3;
	v10 =	vadd.f32 @!p1 v10, v11  }
0x1bf: {  	p0 =	por !p0, !p0  }
0x1c0: {  	s21 =	sshll.u32 @!p0 s20, $0x7;
	[tilespmem:s19+$0x8030] =	vst @!p1 v10  }
0x1c1: {  	v10 =	vld @!p0 [tilespmem:s21+$0xC700];
	_ =	sdelay $0x1  }
0x1c2: {  	v11 =	vld @!p0 [tilespmem:s19+$0x8000]  }
0x1c3: {  	v12 =	vbroadcast @!p0 v9, $0xE;
	_ =	sdelay $0x1  }
0x1c4: {  	v10 =	vmul.f32 @!p0 v10, v12;
	_ =	sdelay $0x1  }
0x1c5: {  	v10 =	vadd.f32 @!p0 v10, v11;
	_ =	sdelay $0x1  }
0x1c6: {  	[tilespmem:s19+$0x8000] =	vst @!p0 v10  }
0x1c7: {  	v10 =	vld @!p0 [tilespmem:s21+$0xC710];
	_ =	sdelay $0x1  }
0x1c8: {  	v11 =	vld @!p0 [tilespmem:s19+$0x8010];
	_ =	sdelay $0x2  }
0x1c9: {  	v10 =	vmul.f32 @!p0 v10, v12;
	_ =	sdelay $0x1  }
0x1ca: {  	v10 =	vadd.f32 @!p0 v10, v11;
	_ =	sdelay $0x1  }
0x1cb: {  	(v2sf) =	vpush v9, $0xF;
	[tilespmem:s19+$0x8010] =	vst @!p0 v10  }
0x1cc: {  	v10 =	vld @!p0 [tilespmem:s21+$0xC720];
	_ =	sdelay $0x1  }
0x1cd: {  	v11 =	vld @!p0 [tilespmem:s19+$0x8020];
	_ =	sdelay $0x2  }
0x1ce: {  	v10 =	vmul.f32 @!p0 v10, v12;
	_ =	sdelay $0x1  }
0x1cf: {  	v10 =	vadd.f32 @!p0 v10, v11;
	_ =	sdelay $0x1  }
0x1d0: {  	[tilespmem:s19+$0x8020] =	vst @!p0 v10  }
0x1d1: {  	v10 =	vld @!p0 [tilespmem:s21+$0xC730];
	_ =	sdelay $0x1  }
0x1d2: {  	v11 =	vld @!p0 [tilespmem:s19+$0x8030];
	_ =	sdelay $0x1  }
0x1d3: {  	s31 =	spop (v2sf)  }
0x1d4: {  	p5 =	slt.f32 s31, $0.0e+00;
	p6 =	sgt.f32 s31, $0.0e+00;
	v10 =	vmul.f32 @!p0 v10, v12  }
0x1d5: {  	_ = 	snop  }
0x1d6: {  	p1 =	por p6, p5;
	v10 =	vadd.f32 @!p0 v10, v11  }
0x1d7: {  	p1 =	por !p1, !p1  }
0x1d8: {  	s20 =	sshll.u32 @!p1 s20, $0x7;
	[tilespmem:s19+$0x8030] =	vst @!p0 v10  }
0x1d9: {  	v10 =	vld @!p1 [tilespmem:s20+$0xC780];
	_ =	sdelay $0x1  }
0x1da: {  	v11 =	vld @!p1 [tilespmem:s19+$0x8000]  }
0x1db: {  	v9 =	vbroadcast @!p1 v9, $0xF;
	_ =	sdelay $0x1  }
0x1dc: {  	v10 =	vmul.f32 @!p1 v10, v9;
	_ =	sdelay $0x1  }
0x1dd: {  	v10 =	vadd.f32 @!p1 v10, v11;
	_ =	sdelay $0x1  }
0x1de: {  	[tilespmem:s19+$0x8000] =	vst @!p1 v10  }
0x1df: {  	v10 =	vld @!p1 [tilespmem:s20+$0xC790];
	_ =	sdelay $0x1  }
0x1e0: {  	v11 =	vld @!p1 [tilespmem:s19+$0x8010];
	_ =	sdelay $0x2  }
0x1e1: {  	v10 =	vmul.f32 @!p1 v10, v9;
	_ =	sdelay $0x1  }
0x1e2: {  	v10 =	vadd.f32 @!p1 v10, v11;
	_ =	sdelay $0x1  }
0x1e3: {  	[tilespmem:s19+$0x8010] =	vst @!p1 v10  }
0x1e4: {  	v10 =	vld @!p1 [tilespmem:s20+$0xC7A0];
	_ =	sdelay $0x1  }
0x1e5: {  	v11 =	vld @!p1 [tilespmem:s19+$0x8020];
	_ =	sdelay $0x2  }
0x1e6: {  	v10 =	vmul.f32 @!p1 v10, v9;
	_ =	sdelay $0x1  }
0x1e7: {  	v10 =	vadd.f32 @!p1 v10, v11;
	_ =	sdelay $0x1  }
0x1e8: {  	[tilespmem:s19+$0x8020] =	vst @!p1 v10  }
0x1e9: {  	v10 =	vld @!p1 [tilespmem:s20+$0xC7B0];
	_ =	sdelay $0x1  }
0x1ea: {  	v11 =	vld @!p1 [tilespmem:s19+$0x8030];
	_ =	sdelay $0x2  }
.Ltmp8:
0x1eb: {  	v9 =	vmul.f32 @!p1 v10, v9;
	(pc) =	sbr.rel .LBB2_7-.Ltmp8, $3  }
0x1ec: {  	_ = 	snop  }
0x1ed: {  	v9 =	vadd.f32 @!p1 v9, v11;
	_ =	sdelay $0x1  }
0x1ee: {  	[tilespmem:s19+$0x8030] =	vst @!p1 v9  }
.LBB2_10:
0x1ef: {  	_ =	sfence.sel $0x180000  }
0x1f0: {  	[bflag:$0x0] =	sbarrier.arrive $0xFFFF  }
0x1f1: {  	p0 =	sne.s32 s5, $0x0;
	_ =	strace $0x90000047  }
0x1f2: {  	s0 =	sadd.s32 @!p0 $0x100000, s3;
	[bflag:$0x2] =	sbarrier.arrive $0xFFFF  }
0x1f3: {  	[sflag:s0] =	ssyncadd.tile.s32 @!p0 $0x1;
	_ =	shalt  }
.Lfunc_end2:
_tile_overlayer_lowered:
.L_overlay_start_2:
0x1f4: {  	(tag) =	ssettag $0x2  }
0x1f5: {  	s0 =	rddreg [dreg:$0x0];
	s2 =	stileid.u32  }
0x1f6: {  	s1 =	rddreg [dreg:$0x1];
	p0 =	sne.s32 s2, $0x0  }
0x1f7: {  	s3 =	rddreg [dreg:$0x2];
	[bflag:$0x3] =	sbarrier.arrive $0xFFFF;
	s2 =	simm.s32 @!p0 $0x1C01  }
0x1f8: {  	[timem:s3], [sflag:s2] =	dma.local @!p0 [hbm:s0], s1  }
0x1f9: {  	s0 =	simm.s32 @!p0 $0x1  }
0x1fa: {  	_ =	swait.ge @!p0 [sflag:s0], s1  }
0x1fb: {  	s1 =	ssub.s32 @!p0 $0x0, s1;
	[sflag:s0] =	ssyncset.done @!p0 $0x0  }
0x1fc: {  	[sflag:s0] =	ssyncadd.s32 @!p0 s1  }
0x1fd: {  	[bflag:$0x3] =	sbarrier.arrive $0xFFFF  }
0x1fe: {  	_ =	shalt  }

</sc_bundles>
